<compile_context>
chip_gen: v7x
topology: tpu7x:2x2x1
jax: 0.10.2.dev20260603
libtpu: 0.0.44.dev20260713+nightly
codegen_flags: <defaults>
</compile_context>

<pallas_src>
import functools

import jax
import jax.numpy as jnp
from jax import lax
from jax.experimental import pallas as pl
from jax.experimental.pallas import tpu as pltpu
from jax.experimental.pallas import tpu_sc as plsc

D_FEAT = 64
D_MODEL = 128
NC, NS = 2, 16
NW = NC * NS
VBLK = 2048


def _tc_project_vocab(table, W, b2d):
    v = table.shape[0]
    grid = (v + VBLK - 1) // VBLK
    mb = VBLK // 128
    tail = v - (grid - 1) * VBLK

    def body(t_ref, w_ref, b_ref, p_ref, s_ref):
        t = t_ref[...]
        y = jnp.dot(t, w_ref[...], preferred_element_type=jnp.float32) + b_ref[...]
        p_ref[...] = jax.nn.gelu(y)
        s_ref[...] = jnp.sum(t.reshape(mb, 128, D_FEAT), axis=-1)

    return pl.pallas_call(
        body,
        grid=(grid,),
        in_specs=[
            pl.BlockSpec((VBLK, D_FEAT), lambda i: (i, 0)),
            pl.BlockSpec((D_FEAT, D_MODEL), lambda i: (0, 0)),
            pl.BlockSpec((1, D_MODEL), lambda i: (0, 0)),
        ],
        out_specs=[
            pl.BlockSpec((VBLK, D_MODEL), lambda i: (i, 0)),
            pl.BlockSpec((mb, 128), lambda i: (i, 0)),
        ],
        out_shape=[
            jax.ShapeDtypeStruct((v, D_MODEL), jnp.float32),
            jax.ShapeDtypeStruct((grid * mb, 128), jnp.float32),
        ],
    )(table, W, b2d)


def _sc_gather(idxp, proj, seq):
    bsz, seqp = idxp.shape
    rows_w = bsz // NW
    ca, cb = 128, seq - 128
    mesh = plsc.VectorSubcoreMesh(core_axis_name="c", subcore_axis_name="s")

    @functools.partial(
        pl.kernel,
        out_type=jax.ShapeDtypeStruct((bsz * seq, D_MODEL), jnp.float32),
        mesh=mesh,
        scratch_types=[
            pltpu.VMEM((rows_w, seqp), jnp.int32),
            pltpu.VMEM((4, ca, D_MODEL), jnp.float32),
            pltpu.SemaphoreType.DMA((4,)),
            pltpu.SemaphoreType.DMA((4,)),
        ],
    )
    def k(idx_hbm, proj_hbm, out_hbm, idx_v, bufs, gsem, wsem):
        wid = lax.axis_index("s") * NC + lax.axis_index("c")
        base = wid * rows_w * seq
        pltpu.sync_copy(idx_hbm.at[pl.ds(wid * rows_w, rows_w)], idx_v)

        def ga(r, slot):
            pltpu.async_copy(proj_hbm.at[idx_v.at[r, pl.ds(0, ca)]],
                             bufs.at[slot], gsem.at[slot])

        def gb(r, slot):
            pltpu.async_copy(proj_hbm.at[idx_v.at[r, pl.ds(ca, cb)]],
                             bufs.at[slot, pl.ds(0, cb)], gsem.at[slot])

        ga(0, 0)
        gb(0, 1)

        def body(r, carry):
            pa = lax.rem(2 * r, 4)
            pb = lax.rem(2 * r + 1, 4)
            qa = lax.rem(2 * r + 2, 4)
            qb = lax.rem(2 * r + 3, 4)

            @pl.when(r + 1 < rows_w)
            def _():
                @pl.when(r >= 1)
                def _():
                    pltpu.make_async_copy(
                        bufs.at[qa], out_hbm.at[pl.ds(base, ca)],
                        wsem.at[qa]).wait()

                ga(r + 1, qa)

                @pl.when(r >= 1)
                def _():
                    pltpu.make_async_copy(
                        bufs.at[qb, pl.ds(0, cb)], out_hbm.at[pl.ds(base, cb)],
                        wsem.at[qb]).wait()

                gb(r + 1, qb)

            pltpu.make_async_copy(proj_hbm.at[idx_v.at[r, pl.ds(0, ca)]],
                                  bufs.at[pa], gsem.at[pa]).wait()
            pltpu.async_copy(bufs.at[pa],
                             out_hbm.at[pl.ds(base + r * seq, ca)],
                             wsem.at[pa])
            pltpu.make_async_copy(proj_hbm.at[idx_v.at[r, pl.ds(ca, cb)]],
                                  bufs.at[pb, pl.ds(0, cb)], gsem.at[pb]).wait()
            pltpu.async_copy(bufs.at[pb, pl.ds(0, cb)],
                             out_hbm.at[pl.ds(base + r * seq + ca, cb)],
                             wsem.at[pb])
            return carry

        lax.fori_loop(0, rows_w, body, 0)
        for p in (0, 2):
            pltpu.make_async_copy(bufs.at[p], out_hbm.at[pl.ds(base, ca)],
                                  wsem.at[p]).wait()
        for p in (1, 3):
            pltpu.make_async_copy(bufs.at[p, pl.ds(0, cb)],
                                  out_hbm.at[pl.ds(base, cb)],
                                  wsem.at[p]).wait()

    return k(idxp, proj)


def _sc_mask(idxp, rs_flat, seq):
    bsz, seqp = idxp.shape
    rows_w = bsz // NW
    flat_w = rows_w * seq
    gpr = (seq + 15) // 16
    last_off = seq - 16
    mesh = plsc.VectorSubcoreMesh(core_axis_name="c", subcore_axis_name="s")

    @functools.partial(
        pl.kernel,
        out_type=jax.ShapeDtypeStruct((bsz * seq,), jnp.float32),
        mesh=mesh,
        scratch_types=[
            pltpu.VMEM(rs_flat.shape, jnp.float32),
            pltpu.VMEM((rows_w, seqp), jnp.int32),
            pltpu.VMEM((flat_w,), jnp.float32),
        ],
        compiler_params=pltpu.CompilerParams(needs_layout_passes=False),
    )
    def k(idx_hbm, rs_hbm, out_hbm, rs_v, idx_v, m_v):
        wid = lax.axis_index("s") * NC + lax.axis_index("c")
        pltpu.sync_copy(rs_hbm, rs_v)
        pltpu.sync_copy(idx_hbm.at[pl.ds(wid * rows_w, rows_w)], idx_v)

        def body(g, carry):
            r = g // gpr
            c = g - r * gpr
            off = jnp.minimum(c * 16, last_off)
            vidx = idx_v[r, pl.ds(off, 16)]
            vals = plsc.load_gather(rs_v, [vidx])
            m_v[pl.ds(r * seq + off, 16)] = jnp.where(
                vals == 0.0, 1.0, 0.0).astype(jnp.float32)
            return carry

        lax.fori_loop(0, rows_w * gpr, body, 0)
        pltpu.sync_copy(m_v, out_hbm.at[pl.ds(wid * flat_w, flat_w)])

    return k(idxp, rs_flat)


def kernel(indices, table, W, b):
    bsz, seq = indices.shape
    seqp = ((seq + 127) // 128) * 128
    idxp = jnp.pad(indices.astype(jnp.int32), ((0, 0), (0, seqp - seq)))
    proj, rowsum = _tc_project_vocab(table, W, b.reshape(1, D_MODEL))
    out_flat = _sc_gather(idxp, proj, seq)
    mask_flat = _sc_mask(idxp, rowsum.reshape(-1), seq)
    out = out_flat.reshape(bsz, seq, D_MODEL)
    mask = mask_flat.reshape(bsz, seq).astype(bool)[:, None, None, :]
    return out, mask

# --- scband reference (transcript-rebuilt; emitter-appended) ---
"""Pipeline reference for scband-usual-embedding-71279277244605 (READ-ONLY COPY).

The authoritative reference and input builder live on the scoring server;
editing this copy changes nothing except your own understanding.
"""

import jax, jax.numpy as jnp
import numpy as np

VOCAB = 100000
D_FEAT = 64
D_MODEL = 128
B = 1024
L = 200
PAD_IDX = 0


def setup_inputs(seed: int = 0) -> dict:
    key = jax.random.key(seed)
    k1, k2, k3 = jax.random.split(key, 3)
    indices = jax.random.randint(k1, (B, L), 0, VOCAB, dtype=jnp.int64 if jax.config.jax_enable_x64 else jnp.int32)
    table = jax.random.normal(k2, (VOCAB, D_FEAT), dtype=jnp.float32) * 0.02
    W = jax.random.normal(k3, (D_FEAT, D_MODEL), dtype=jnp.float32) * (1.0 / np.sqrt(D_FEAT))
    b = jnp.zeros((D_MODEL,), dtype=jnp.float32)
    return {"indices": indices, "table": table, "W": W, "b": b}


def reference(indices, table, W, b):
    # Embedding lookup (the string tokenization in the original module is
    # modeled as pre-tokenized int indices of shape [B, max_length]).
    emb = jnp.take(table, indices, axis=0)  # [B, L, D_FEAT]
    # generate_padding_mask: positions whose embedding row-sum equals padding_idx (0)
    padding_mask = (jnp.sum(emb, axis=-1) == float(PAD_IDX))[:, None, None, :]  # [B,1,1,L] bool
    # Linear projection -> GELU -> dropout (eval mode: identity)
    out = emb @ W + b  # [B, L, D_MODEL]
    out = jax.nn.gelu(out)
    return (out, padding_mask)

if __name__ == "__main__":
    import jax
    _d = setup_inputs()
    print(jax.jit(kernel)(*tuple(_d.values())))

</pallas_src>

<mosaic_0001>
#map = affine_map<(d0, d1) -> (0, 0)>
module attributes {stable_mosaic.version = 14 : i64} {
  func.func @k(%arg0: i32, %arg1: i32, %arg2: memref<1024x256xi32, #tpu.memory_space<hbm>>, %arg3: memref<100000x128xf32, #tpu.memory_space<hbm>>, %arg4: memref<204800x128xf32, #tpu.memory_space<hbm>>, %arg5: memref<32x256xi32, #tpu.memory_space<vmem>>, %arg6: memref<4x128x128xf32, #tpu.memory_space<vmem>>, %arg7: memref<4x!tpu.dma_semaphore, #tpu.memory_space<semaphore_mem>>, %arg8: memref<4x!tpu.dma_semaphore, #tpu.memory_space<semaphore_mem>>) attributes {dimension_semantics = [#tpu.dimension_semantics<core_parallel>, #tpu.dimension_semantics<subcore_parallel>], iteration_bounds = array<i64: 2, 16>, scalar_prefetch = 0 : i64, scratch_operands = 4 : i64, tpu.core_type = #tpu.core_type<sc_vector_subcore>, window_params = [{transform_indices = #map}, {transform_indices = #map}, {transform_indices = #map}]} {
    %mul3A = arith.constant 2 : i32
    %mul3A_0 = arith.muli %arg1, %mul3A : i32
    %add3A = arith.addi %mul3A_0, %arg0 : i32
    %mul3A_1 = arith.constant 32 : i32
    %mul3A_2 = arith.muli %add3A, %mul3A_1 : i32
    %mul3A_3 = arith.constant 200 : i32
    %mul3A_4 = arith.muli %mul3A_2, %mul3A_3 : i32
    %mul3A_5 = arith.constant 32 : i32
    %mul3A_6 = arith.muli %add3A, %mul3A_5 : i32
    "tpu.region"() ({
      %run_scoped3A = tpu.sem_alloc : memref<!tpu.dma_semaphore, #tpu.memory_space<semaphore_mem>>
      %dma_start3A_104 = arith.constant 0 : i32
      %dma_start3A_105 = tpu.memref_slice %arg2[%mul3A_6, %dma_start3A_104] : memref<1024x256xi32, #tpu.memory_space<hbm>> -> memref<32x256xi32, #tpu.memory_space<hbm>>
      %dma_start3A_106 = arith.constant 0 : i32
      %dma_start3A_107 = tpu.memref_slice %arg2[%mul3A_6, %dma_start3A_106] : memref<1024x256xi32, #tpu.memory_space<hbm>> -> memref<32x256xi32, #tpu.memory_space<hbm>>
      tpu.enqueue_dma source(%dma_start3A_107 : memref<32x256xi32, #tpu.memory_space<hbm>>) target(%arg5 : memref<32x256xi32, #tpu.memory_space<vmem>>) target_semaphore(%run_scoped3A : memref<!tpu.dma_semaphore, #tpu.memory_space<semaphore_mem>>)
      %dma_wait3A_108 = arith.constant 0 : i32
      %dma_wait3A_109 = tpu.memref_slice %arg2[%mul3A_6, %dma_wait3A_108] : memref<1024x256xi32, #tpu.memory_space<hbm>> -> memref<32x256xi32, #tpu.memory_space<hbm>>
      %dma_wait3A_110 = arith.constant 0 : i32
      %dma_wait3A_111 = tpu.memref_slice %arg2[%mul3A_6, %dma_wait3A_110] : memref<1024x256xi32, #tpu.memory_space<hbm>> -> memref<32x256xi32, #tpu.memory_space<hbm>>
      tpu.wait_dma2 semaphore(%run_scoped3A : memref<!tpu.dma_semaphore, #tpu.memory_space<semaphore_mem>>) src(%dma_wait3A_111 : memref<32x256xi32, #tpu.memory_space<hbm>>) dst(%arg5 : memref<32x256xi32, #tpu.memory_space<vmem>>)
      tpu.yield
    }) : () -> ()
    %dma_start3A = arith.constant 0 : i32
    %dma_start3A_7 = arith.constant 0 : i32
    %dma_start3A_8 = arith.constant 0 : i32
    %dma_start3A_9 = arith.constant 0 : i32
    %dma_start3A_10 = arith.constant 0 : i32
    %dma_start3A_11 = tpu.memref_slice %arg6[%dma_start3A_7, %dma_start3A_9, %dma_start3A_10] : memref<4x128x128xf32, #tpu.memory_space<vmem>> -> memref<1x128x128xf32, #tpu.memory_space<vmem>>
    %dma_start3A_12 = tpu.memref_squeeze %dma_start3A_11 : memref<1x128x128xf32, #tpu.memory_space<vmem>> -> memref<128x128xf32, #tpu.memory_space<vmem>>
    %dma_start3A_13 = arith.constant 0 : i32
    %dma_start3A_14 = tpu.memref_slice %arg5[%dma_start3A, %dma_start3A_13] : memref<32x256xi32, #tpu.memory_space<vmem>> -> memref<1x128xi32, #tpu.memory_space<vmem>>
    %dma_start3A_15 = tpu.memref_squeeze %dma_start3A_14 : memref<1x128xi32, #tpu.memory_space<vmem>> -> memref<128xi32, #tpu.memory_space<vmem>>
    %dma_start3A_16 = arith.constant 0 : i32
    %dma_start3A_17 = arith.constant 0 : i32
    %dma_start3A_18 = tpu.memref_slice %arg3[%dma_start3A_16, %dma_start3A_17] : memref<100000x128xf32, #tpu.memory_space<hbm>> -> memref<100000x128xf32, #tpu.memory_space<hbm>>
    %dma_start3A_19 = tpu.memref_slice %arg7[%dma_start3A_8] : memref<4x!tpu.dma_semaphore, #tpu.memory_space<semaphore_mem>> -> memref<1x!tpu.dma_semaphore, #tpu.memory_space<semaphore_mem>>
    %dma_start3A_20 = tpu.memref_squeeze %dma_start3A_19 : memref<1x!tpu.dma_semaphore, #tpu.memory_space<semaphore_mem>> -> memref<!tpu.dma_semaphore, #tpu.memory_space<semaphore_mem>>
    tpu.enqueue_indirect_dma source(%dma_start3A_18 : memref<100000x128xf32, #tpu.memory_space<hbm>>) target(%dma_start3A_12 : memref<128x128xf32, #tpu.memory_space<vmem>>) offsets(%dma_start3A_15 : memref<128xi32, #tpu.memory_space<vmem>>) semaphore(%dma_start3A_20 : memref<!tpu.dma_semaphore, #tpu.memory_space<semaphore_mem>>)
    %dma_start3A_21 = arith.constant 0 : i32
    %dma_start3A_22 = arith.constant 1 : i32
    %dma_start3A_23 = arith.constant 1 : i32
    %dma_start3A_24 = arith.constant 0 : i32
    %dma_start3A_25 = arith.constant 0 : i32
    %dma_start3A_26 = tpu.memref_slice %arg6[%dma_start3A_22, %dma_start3A_24, %dma_start3A_25] : memref<4x128x128xf32, #tpu.memory_space<vmem>> -> memref<1x72x128xf32, #tpu.memory_space<vmem>>
    %dma_start3A_27 = tpu.memref_squeeze %dma_start3A_26 : memref<1x72x128xf32, #tpu.memory_space<vmem>> -> memref<72x128xf32, #tpu.memory_space<vmem>>
    %dma_start3A_28 = arith.constant 128 : i32
    %dma_start3A_29 = tpu.memref_slice %arg5[%dma_start3A_21, %dma_start3A_28] : memref<32x256xi32, #tpu.memory_space<vmem>> -> memref<1x72xi32, #tpu.memory_space<vmem>>
    %dma_start3A_30 = tpu.memref_squeeze %dma_start3A_29 : memref<1x72xi32, #tpu.memory_space<vmem>> -> memref<72xi32, #tpu.memory_space<vmem>>
    %dma_start3A_31 = arith.constant 0 : i32
    %dma_start3A_32 = arith.constant 0 : i32
    %dma_start3A_33 = tpu.memref_slice %arg3[%dma_start3A_31, %dma_start3A_32] : memref<100000x128xf32, #tpu.memory_space<hbm>> -> memref<100000x128xf32, #tpu.memory_space<hbm>>
    %dma_start3A_34 = tpu.memref_slice %arg7[%dma_start3A_23] : memref<4x!tpu.dma_semaphore, #tpu.memory_space<semaphore_mem>> -> memref<1x!tpu.dma_semaphore, #tpu.memory_space<semaphore_mem>>
    %dma_start3A_35 = tpu.memref_squeeze %dma_start3A_34 : memref<1x!tpu.dma_semaphore, #tpu.memory_space<semaphore_mem>> -> memref<!tpu.dma_semaphore, #tpu.memory_space<semaphore_mem>>
    tpu.enqueue_indirect_dma source(%dma_start3A_33 : memref<100000x128xf32, #tpu.memory_space<hbm>>) target(%dma_start3A_27 : memref<72x128xf32, #tpu.memory_space<vmem>>) offsets(%dma_start3A_30 : memref<72xi32, #tpu.memory_space<vmem>>) semaphore(%dma_start3A_35 : memref<!tpu.dma_semaphore, #tpu.memory_space<semaphore_mem>>)
    %scan3A = arith.constant 0 : i32
    %scan3A_36 = arith.constant 0 : i32
    %scan3A_37 = arith.constant 32 : i32
    %scan3A_38 = arith.addi %scan3A_36, %scan3A_37 : i32
    %scan3A_39 = arith.constant 1 : i32
    scf.for %scan3A_104 = %scan3A_36 to %scan3A_38 step %scan3A_39  : i32 {
      %mul3A_105 = arith.constant 2 : i32
      %mul3A_106 = arith.muli %mul3A_105, %scan3A_104 : i32
      %rem3A = arith.constant 4 : i32
      %rem3A_107 = arith.remsi %mul3A_106, %rem3A : i32
      %mul3A_108 = arith.constant 2 : i32
      %mul3A_109 = arith.muli %mul3A_108, %scan3A_104 : i32
      %add3A_110 = arith.constant 1 : i32
      %add3A_111 = arith.addi %mul3A_109, %add3A_110 : i32
      %rem3A_112 = arith.constant 4 : i32
      %rem3A_113 = arith.remsi %add3A_111, %rem3A_112 : i32
      %mul3A_114 = arith.constant 2 : i32
      %mul3A_115 = arith.muli %mul3A_114, %scan3A_104 : i32
      %add3A_116 = arith.constant 2 : i32
      %add3A_117 = arith.addi %mul3A_115, %add3A_116 : i32
      %rem3A_118 = arith.constant 4 : i32
      %rem3A_119 = arith.remsi %add3A_117, %rem3A_118 : i32
      %mul3A_120 = arith.constant 2 : i32
      %mul3A_121 = arith.muli %mul3A_120, %scan3A_104 : i32
      %add3A_122 = arith.constant 3 : i32
      %add3A_123 = arith.addi %mul3A_121, %add3A_122 : i32
      %rem3A_124 = arith.constant 4 : i32
      %rem3A_125 = arith.remsi %add3A_123, %rem3A_124 : i32
      %add3A_126 = arith.constant 1 : i32
      %add3A_127 = arith.addi %scan3A_104, %add3A_126 : i32
      %lt3A = arith.constant 32 : i32
      %lt3A_128 = arith.cmpi slt, %add3A_127, %lt3A : i32
      %convert_element_type3A = arith.extui %lt3A_128 : i1 to i32
      %cond3A = arith.constant 0 : i32
      %cond3A_129 = arith.cmpi ne, %convert_element_type3A, %cond3A : i32
      scf.if %cond3A_129 {
        %ge3A = arith.constant 1 : i32
        %ge3A_190 = arith.cmpi sge, %scan3A_104, %ge3A : i32
        %convert_element_type3A_191 = arith.extui %ge3A_190 : i1 to i32
        %cond3A_192 = arith.constant 0 : i32
        %cond3A_193 = arith.cmpi ne, %convert_element_type3A_191, %cond3A_192 : i32
        scf.if %cond3A_193 {
          %dma_wait3A_227 = arith.constant 0 : i32
          %dma_wait3A_228 = arith.constant 0 : i32
          %dma_wait3A_229 = tpu.memref_slice %arg6[%rem3A_119, %dma_wait3A_227, %dma_wait3A_228] : memref<4x128x128xf32, #tpu.memory_space<vmem>> -> memref<1x128x128xf32, #tpu.memory_space<vmem>>
          %dma_wait3A_230 = tpu.memref_squeeze %dma_wait3A_229 : memref<1x128x128xf32, #tpu.memory_space<vmem>> -> memref<128x128xf32, #tpu.memory_space<vmem>>
          %dma_wait3A_231 = arith.constant 0 : i32
          %dma_wait3A_232 = tpu.memref_slice %arg4[%mul3A_4, %dma_wait3A_231] : memref<204800x128xf32, #tpu.memory_space<hbm>> -> memref<128x128xf32, #tpu.memory_space<hbm>>
          %dma_wait3A_233 = tpu.memref_slice %arg8[%rem3A_119] : memref<4x!tpu.dma_semaphore, #tpu.memory_space<semaphore_mem>> -> memref<1x!tpu.dma_semaphore, #tpu.memory_space<semaphore_mem>>
          %dma_wait3A_234 = tpu.memref_squeeze %dma_wait3A_233 : memref<1x!tpu.dma_semaphore, #tpu.memory_space<semaphore_mem>> -> memref<!tpu.dma_semaphore, #tpu.memory_space<semaphore_mem>>
          %dma_wait3A_235 = arith.constant 0 : i32
          %dma_wait3A_236 = tpu.memref_slice %arg4[%mul3A_4, %dma_wait3A_235] : memref<204800x128xf32, #tpu.memory_space<hbm>> -> memref<128x128xf32, #tpu.memory_space<hbm>>
          %dma_wait3A_237 = arith.constant 0 : i32
          %dma_wait3A_238 = arith.constant 0 : i32
          %dma_wait3A_239 = tpu.memref_slice %arg6[%rem3A_119, %dma_wait3A_237, %dma_wait3A_238] : memref<4x128x128xf32, #tpu.memory_space<vmem>> -> memref<1x128x128xf32, #tpu.memory_space<vmem>>
          %dma_wait3A_240 = tpu.memref_squeeze %dma_wait3A_239 : memref<1x128x128xf32, #tpu.memory_space<vmem>> -> memref<128x128xf32, #tpu.memory_space<vmem>>
          tpu.wait_dma2 semaphore(%dma_wait3A_234 : memref<!tpu.dma_semaphore, #tpu.memory_space<semaphore_mem>>) src(%dma_wait3A_240 : memref<128x128xf32, #tpu.memory_space<vmem>>) dst(%dma_wait3A_236 : memref<128x128xf32, #tpu.memory_space<hbm>>)
        } else {
        }
        %add3A_194 = arith.constant 1 : i32
        %add3A_195 = arith.addi %scan3A_104, %add3A_194 : i32
        %dma_start3A_196 = arith.constant 0 : i32
        %dma_start3A_197 = arith.constant 0 : i32
        %dma_start3A_198 = tpu.memref_slice %arg6[%rem3A_119, %dma_start3A_196, %dma_start3A_197] : memref<4x128x128xf32, #tpu.memory_space<vmem>> -> memref<1x128x128xf32, #tpu.memory_space<vmem>>
        %dma_start3A_199 = tpu.memref_squeeze %dma_start3A_198 : memref<1x128x128xf32, #tpu.memory_space<vmem>> -> memref<128x128xf32, #tpu.memory_space<vmem>>
        %dma_start3A_200 = arith.constant 0 : i32
        %dma_start3A_201 = tpu.memref_slice %arg5[%add3A_195, %dma_start3A_200] : memref<32x256xi32, #tpu.memory_space<vmem>> -> memref<1x128xi32, #tpu.memory_space<vmem>>
        %dma_start3A_202 = tpu.memref_squeeze %dma_start3A_201 : memref<1x128xi32, #tpu.memory_space<vmem>> -> memref<128xi32, #tpu.memory_space<vmem>>
        %dma_start3A_203 = arith.constant 0 : i32
        %dma_start3A_204 = arith.constant 0 : i32
        %dma_start3A_205 = tpu.memref_slice %arg3[%dma_start3A_203, %dma_start3A_204] : memref<100000x128xf32, #tpu.memory_space<hbm>> -> memref<100000x128xf32, #tpu.memory_space<hbm>>
        %dma_start3A_206 = tpu.memref_slice %arg7[%rem3A_119] : memref<4x!tpu.dma_semaphore, #tpu.memory_space<semaphore_mem>> -> memref<1x!tpu.dma_semaphore, #tpu.memory_space<semaphore_mem>>
        %dma_start3A_207 = tpu.memref_squeeze %dma_start3A_206 : memref<1x!tpu.dma_semaphore, #tpu.memory_space<semaphore_mem>> -> memref<!tpu.dma_semaphore, #tpu.memory_space<semaphore_mem>>
        tpu.enqueue_indirect_dma source(%dma_start3A_205 : memref<100000x128xf32, #tpu.memory_space<hbm>>) target(%dma_start3A_199 : memref<128x128xf32, #tpu.memory_space<vmem>>) offsets(%dma_start3A_202 : memref<128xi32, #tpu.memory_space<vmem>>) semaphore(%dma_start3A_207 : memref<!tpu.dma_semaphore, #tpu.memory_space<semaphore_mem>>)
        %ge3A_208 = arith.constant 1 : i32
        %ge3A_209 = arith.cmpi sge, %scan3A_104, %ge3A_208 : i32
        %convert_element_type3A_210 = arith.extui %ge3A_209 : i1 to i32
        %cond3A_211 = arith.constant 0 : i32
        %cond3A_212 = arith.cmpi ne, %convert_element_type3A_210, %cond3A_211 : i32
        scf.if %cond3A_212 {
          %dma_wait3A_227 = arith.constant 0 : i32
          %dma_wait3A_228 = arith.constant 0 : i32
          %dma_wait3A_229 = tpu.memref_slice %arg6[%rem3A_125, %dma_wait3A_227, %dma_wait3A_228] : memref<4x128x128xf32, #tpu.memory_space<vmem>> -> memref<1x72x128xf32, #tpu.memory_space<vmem>>
          %dma_wait3A_230 = tpu.memref_squeeze %dma_wait3A_229 : memref<1x72x128xf32, #tpu.memory_space<vmem>> -> memref<72x128xf32, #tpu.memory_space<vmem>>
          %dma_wait3A_231 = arith.constant 0 : i32
          %dma_wait3A_232 = tpu.memref_slice %arg4[%mul3A_4, %dma_wait3A_231] : memref<204800x128xf32, #tpu.memory_space<hbm>> -> memref<72x128xf32, #tpu.memory_space<hbm>>
          %dma_wait3A_233 = tpu.memref_slice %arg8[%rem3A_125] : memref<4x!tpu.dma_semaphore, #tpu.memory_space<semaphore_mem>> -> memref<1x!tpu.dma_semaphore, #tpu.memory_space<semaphore_mem>>
          %dma_wait3A_234 = tpu.memref_squeeze %dma_wait3A_233 : memref<1x!tpu.dma_semaphore, #tpu.memory_space<semaphore_mem>> -> memref<!tpu.dma_semaphore, #tpu.memory_space<semaphore_mem>>
          %dma_wait3A_235 = arith.constant 0 : i32
          %dma_wait3A_236 = tpu.memref_slice %arg4[%mul3A_4, %dma_wait3A_235] : memref<204800x128xf32, #tpu.memory_space<hbm>> -> memref<72x128xf32, #tpu.memory_space<hbm>>
          %dma_wait3A_237 = arith.constant 0 : i32
          %dma_wait3A_238 = arith.constant 0 : i32
          %dma_wait3A_239 = tpu.memref_slice %arg6[%rem3A_125, %dma_wait3A_237, %dma_wait3A_238] : memref<4x128x128xf32, #tpu.memory_space<vmem>> -> memref<1x72x128xf32, #tpu.memory_space<vmem>>
          %dma_wait3A_240 = tpu.memref_squeeze %dma_wait3A_239 : memref<1x72x128xf32, #tpu.memory_space<vmem>> -> memref<72x128xf32, #tpu.memory_space<vmem>>
          tpu.wait_dma2 semaphore(%dma_wait3A_234 : memref<!tpu.dma_semaphore, #tpu.memory_space<semaphore_mem>>) src(%dma_wait3A_240 : memref<72x128xf32, #tpu.memory_space<vmem>>) dst(%dma_wait3A_236 : memref<72x128xf32, #tpu.memory_space<hbm>>)
        } else {
        }
        %add3A_213 = arith.constant 1 : i32
        %add3A_214 = arith.addi %scan3A_104, %add3A_213 : i32
        %dma_start3A_215 = arith.constant 0 : i32
        %dma_start3A_216 = arith.constant 0 : i32
        %dma_start3A_217 = tpu.memref_slice %arg6[%rem3A_125, %dma_start3A_215, %dma_start3A_216] : memref<4x128x128xf32, #tpu.memory_space<vmem>> -> memref<1x72x128xf32, #tpu.memory_space<vmem>>
        %dma_start3A_218 = tpu.memref_squeeze %dma_start3A_217 : memref<1x72x128xf32, #tpu.memory_space<vmem>> -> memref<72x128xf32, #tpu.memory_space<vmem>>
        %dma_start3A_219 = arith.constant 128 : i32
        %dma_start3A_220 = tpu.memref_slice %arg5[%add3A_214, %dma_start3A_219] : memref<32x256xi32, #tpu.memory_space<vmem>> -> memref<1x72xi32, #tpu.memory_space<vmem>>
        %dma_start3A_221 = tpu.memref_squeeze %dma_start3A_220 : memref<1x72xi32, #tpu.memory_space<vmem>> -> memref<72xi32, #tpu.memory_space<vmem>>
        %dma_start3A_222 = arith.constant 0 : i32
        %dma_start3A_223 = arith.constant 0 : i32
        %dma_start3A_224 = tpu.memref_slice %arg3[%dma_start3A_222, %dma_start3A_223] : memref<100000x128xf32, #tpu.memory_space<hbm>> -> memref<100000x128xf32, #tpu.memory_space<hbm>>
        %dma_start3A_225 = tpu.memref_slice %arg7[%rem3A_125] : memref<4x!tpu.dma_semaphore, #tpu.memory_space<semaphore_mem>> -> memref<1x!tpu.dma_semaphore, #tpu.memory_space<semaphore_mem>>
        %dma_start3A_226 = tpu.memref_squeeze %dma_start3A_225 : memref<1x!tpu.dma_semaphore, #tpu.memory_space<semaphore_mem>> -> memref<!tpu.dma_semaphore, #tpu.memory_space<semaphore_mem>>
        tpu.enqueue_indirect_dma source(%dma_start3A_224 : memref<100000x128xf32, #tpu.memory_space<hbm>>) target(%dma_start3A_218 : memref<72x128xf32, #tpu.memory_space<vmem>>) offsets(%dma_start3A_221 : memref<72xi32, #tpu.memory_space<vmem>>) semaphore(%dma_start3A_226 : memref<!tpu.dma_semaphore, #tpu.memory_space<semaphore_mem>>)
      } else {
      }
      %dma_wait3A_130 = arith.constant 0 : i32
      %dma_wait3A_131 = arith.constant 0 : i32
      %dma_wait3A_132 = tpu.memref_slice %arg6[%rem3A_107, %dma_wait3A_130, %dma_wait3A_131] : memref<4x128x128xf32, #tpu.memory_space<vmem>> -> memref<1x128x128xf32, #tpu.memory_space<vmem>>
      %dma_wait3A_133 = tpu.memref_squeeze %dma_wait3A_132 : memref<1x128x128xf32, #tpu.memory_space<vmem>> -> memref<128x128xf32, #tpu.memory_space<vmem>>
      %dma_wait3A_134 = arith.constant 0 : i32
      %dma_wait3A_135 = tpu.memref_slice %arg5[%scan3A_104, %dma_wait3A_134] : memref<32x256xi32, #tpu.memory_space<vmem>> -> memref<1x128xi32, #tpu.memory_space<vmem>>
      %dma_wait3A_136 = tpu.memref_squeeze %dma_wait3A_135 : memref<1x128xi32, #tpu.memory_space<vmem>> -> memref<128xi32, #tpu.memory_space<vmem>>
      %dma_wait3A_137 = arith.constant 0 : i32
      %dma_wait3A_138 = arith.constant 0 : i32
      %dma_wait3A_139 = tpu.memref_slice %arg3[%dma_wait3A_137, %dma_wait3A_138] : memref<100000x128xf32, #tpu.memory_space<hbm>> -> memref<100000x128xf32, #tpu.memory_space<hbm>>
      %dma_wait3A_140 = tpu.memref_slice %arg7[%rem3A_107] : memref<4x!tpu.dma_semaphore, #tpu.memory_space<semaphore_mem>> -> memref<1x!tpu.dma_semaphore, #tpu.memory_space<semaphore_mem>>
      %dma_wait3A_141 = tpu.memref_squeeze %dma_wait3A_140 : memref<1x!tpu.dma_semaphore, #tpu.memory_space<semaphore_mem>> -> memref<!tpu.dma_semaphore, #tpu.memory_space<semaphore_mem>>
      tpu.wait_indirect_dma semaphore(%dma_wait3A_141 : memref<!tpu.dma_semaphore, #tpu.memory_space<semaphore_mem>>) src(%dma_wait3A_139 : memref<100000x128xf32, #tpu.memory_space<hbm>>) dst(%dma_wait3A_133 : memref<128x128xf32, #tpu.memory_space<vmem>>)
      %mul3A_142 = arith.constant 200 : i32
      %mul3A_143 = arith.muli %scan3A_104, %mul3A_142 : i32
      %add3A_144 = arith.addi %mul3A_4, %mul3A_143 : i32
      %dma_start3A_145 = arith.constant 0 : i32
      %dma_start3A_146 = arith.constant 0 : i32
      %dma_start3A_147 = tpu.memref_slice %arg6[%rem3A_107, %dma_start3A_145, %dma_start3A_146] : memref<4x128x128xf32, #tpu.memory_space<vmem>> -> memref<1x128x128xf32, #tpu.memory_space<vmem>>
      %dma_start3A_148 = tpu.memref_squeeze %dma_start3A_147 : memref<1x128x128xf32, #tpu.memory_space<vmem>> -> memref<128x128xf32, #tpu.memory_space<vmem>>
      %dma_start3A_149 = arith.constant 0 : i32
      %dma_start3A_150 = tpu.memref_slice %arg4[%add3A_144, %dma_start3A_149] : memref<204800x128xf32, #tpu.memory_space<hbm>> -> memref<128x128xf32, #tpu.memory_space<hbm>>
      %dma_start3A_151 = tpu.memref_slice %arg8[%rem3A_107] : memref<4x!tpu.dma_semaphore, #tpu.memory_space<semaphore_mem>> -> memref<1x!tpu.dma_semaphore, #tpu.memory_space<semaphore_mem>>
      %dma_start3A_152 = tpu.memref_squeeze %dma_start3A_151 : memref<1x!tpu.dma_semaphore, #tpu.memory_space<semaphore_mem>> -> memref<!tpu.dma_semaphore, #tpu.memory_space<semaphore_mem>>
      %dma_start3A_153 = arith.constant 0 : i32
      %dma_start3A_154 = tpu.memref_slice %arg4[%add3A_144, %dma_start3A_153] : memref<204800x128xf32, #tpu.memory_space<hbm>> -> memref<128x128xf32, #tpu.memory_space<hbm>>
      %dma_start3A_155 = arith.constant 0 : i32
      %dma_start3A_156 = arith.constant 0 : i32
      %dma_start3A_157 = tpu.memref_slice %arg6[%rem3A_107, %dma_start3A_155, %dma_start3A_156] : memref<4x128x128xf32, #tpu.memory_space<vmem>> -> memref<1x128x128xf32, #tpu.memory_space<vmem>>
      %dma_start3A_158 = tpu.memref_squeeze %dma_start3A_157 : memref<1x128x128xf32, #tpu.memory_space<vmem>> -> memref<128x128xf32, #tpu.memory_space<vmem>>
      tpu.enqueue_dma source(%dma_start3A_158 : memref<128x128xf32, #tpu.memory_space<vmem>>) target(%dma_start3A_154 : memref<128x128xf32, #tpu.memory_space<hbm>>) target_semaphore(%dma_start3A_152 : memref<!tpu.dma_semaphore, #tpu.memory_space<semaphore_mem>>)
      %dma_wait3A_159 = arith.constant 0 : i32
      %dma_wait3A_160 = arith.constant 0 : i32
      %dma_wait3A_161 = tpu.memref_slice %arg6[%rem3A_113, %dma_wait3A_159, %dma_wait3A_160] : memref<4x128x128xf32, #tpu.memory_space<vmem>> -> memref<1x72x128xf32, #tpu.memory_space<vmem>>
      %dma_wait3A_162 = tpu.memref_squeeze %dma_wait3A_161 : memref<1x72x128xf32, #tpu.memory_space<vmem>> -> memref<72x128xf32, #tpu.memory_space<vmem>>
      %dma_wait3A_163 = arith.constant 128 : i32
      %dma_wait3A_164 = tpu.memref_slice %arg5[%scan3A_104, %dma_wait3A_163] : memref<32x256xi32, #tpu.memory_space<vmem>> -> memref<1x72xi32, #tpu.memory_space<vmem>>
      %dma_wait3A_165 = tpu.memref_squeeze %dma_wait3A_164 : memref<1x72xi32, #tpu.memory_space<vmem>> -> memref<72xi32, #tpu.memory_space<vmem>>
      %dma_wait3A_166 = arith.constant 0 : i32
      %dma_wait3A_167 = arith.constant 0 : i32
      %dma_wait3A_168 = tpu.memref_slice %arg3[%dma_wait3A_166, %dma_wait3A_167] : memref<100000x128xf32, #tpu.memory_space<hbm>> -> memref<100000x128xf32, #tpu.memory_space<hbm>>
      %dma_wait3A_169 = tpu.memref_slice %arg7[%rem3A_113] : memref<4x!tpu.dma_semaphore, #tpu.memory_space<semaphore_mem>> -> memref<1x!tpu.dma_semaphore, #tpu.memory_space<semaphore_mem>>
      %dma_wait3A_170 = tpu.memref_squeeze %dma_wait3A_169 : memref<1x!tpu.dma_semaphore, #tpu.memory_space<semaphore_mem>> -> memref<!tpu.dma_semaphore, #tpu.memory_space<semaphore_mem>>
      tpu.wait_indirect_dma semaphore(%dma_wait3A_170 : memref<!tpu.dma_semaphore, #tpu.memory_space<semaphore_mem>>) src(%dma_wait3A_168 : memref<100000x128xf32, #tpu.memory_space<hbm>>) dst(%dma_wait3A_162 : memref<72x128xf32, #tpu.memory_space<vmem>>)
      %mul3A_171 = arith.constant 200 : i32
      %mul3A_172 = arith.muli %scan3A_104, %mul3A_171 : i32
      %add3A_173 = arith.addi %mul3A_4, %mul3A_172 : i32
      %add3A_174 = arith.constant 128 : i32
      %add3A_175 = arith.addi %add3A_173, %add3A_174 : i32
      %dma_start3A_176 = arith.constant 0 : i32
      %dma_start3A_177 = arith.constant 0 : i32
      %dma_start3A_178 = tpu.memref_slice %arg6[%rem3A_113, %dma_start3A_176, %dma_start3A_177] : memref<4x128x128xf32, #tpu.memory_space<vmem>> -> memref<1x72x128xf32, #tpu.memory_space<vmem>>
      %dma_start3A_179 = tpu.memref_squeeze %dma_start3A_178 : memref<1x72x128xf32, #tpu.memory_space<vmem>> -> memref<72x128xf32, #tpu.memory_space<vmem>>
      %dma_start3A_180 = arith.constant 0 : i32
      %dma_start3A_181 = tpu.memref_slice %arg4[%add3A_175, %dma_start3A_180] : memref<204800x128xf32, #tpu.memory_space<hbm>> -> memref<72x128xf32, #tpu.memory_space<hbm>>
      %dma_start3A_182 = tpu.memref_slice %arg8[%rem3A_113] : memref<4x!tpu.dma_semaphore, #tpu.memory_space<semaphore_mem>> -> memref<1x!tpu.dma_semaphore, #tpu.memory_space<semaphore_mem>>
      %dma_start3A_183 = tpu.memref_squeeze %dma_start3A_182 : memref<1x!tpu.dma_semaphore, #tpu.memory_space<semaphore_mem>> -> memref<!tpu.dma_semaphore, #tpu.memory_space<semaphore_mem>>
      %dma_start3A_184 = arith.constant 0 : i32
      %dma_start3A_185 = tpu.memref_slice %arg4[%add3A_175, %dma_start3A_184] : memref<204800x128xf32, #tpu.memory_space<hbm>> -> memref<72x128xf32, #tpu.memory_space<hbm>>
      %dma_start3A_186 = arith.constant 0 : i32
      %dma_start3A_187 = arith.constant 0 : i32
      %dma_start3A_188 = tpu.memref_slice %arg6[%rem3A_113, %dma_start3A_186, %dma_start3A_187] : memref<4x128x128xf32, #tpu.memory_space<vmem>> -> memref<1x72x128xf32, #tpu.memory_space<vmem>>
      %dma_start3A_189 = tpu.memref_squeeze %dma_start3A_188 : memref<1x72x128xf32, #tpu.memory_space<vmem>> -> memref<72x128xf32, #tpu.memory_space<vmem>>
      tpu.enqueue_dma source(%dma_start3A_189 : memref<72x128xf32, #tpu.memory_space<vmem>>) target(%dma_start3A_185 : memref<72x128xf32, #tpu.memory_space<hbm>>) target_semaphore(%dma_start3A_183 : memref<!tpu.dma_semaphore, #tpu.memory_space<semaphore_mem>>)
    }
    %scan3A_40 = arith.constant 32 : i32
    %dma_wait3A = arith.constant 0 : i32
    %dma_wait3A_41 = arith.constant 0 : i32
    %dma_wait3A_42 = arith.constant 0 : i32
    %dma_wait3A_43 = arith.constant 0 : i32
    %dma_wait3A_44 = tpu.memref_slice %arg6[%dma_wait3A, %dma_wait3A_42, %dma_wait3A_43] : memref<4x128x128xf32, #tpu.memory_space<vmem>> -> memref<1x128x128xf32, #tpu.memory_space<vmem>>
    %dma_wait3A_45 = tpu.memref_squeeze %dma_wait3A_44 : memref<1x128x128xf32, #tpu.memory_space<vmem>> -> memref<128x128xf32, #tpu.memory_space<vmem>>
    %dma_wait3A_46 = arith.constant 0 : i32
    %dma_wait3A_47 = tpu.memref_slice %arg4[%mul3A_4, %dma_wait3A_46] : memref<204800x128xf32, #tpu.memory_space<hbm>> -> memref<128x128xf32, #tpu.memory_space<hbm>>
    %dma_wait3A_48 = tpu.memref_slice %arg8[%dma_wait3A_41] : memref<4x!tpu.dma_semaphore, #tpu.memory_space<semaphore_mem>> -> memref<1x!tpu.dma_semaphore, #tpu.memory_space<semaphore_mem>>
    %dma_wait3A_49 = tpu.memref_squeeze %dma_wait3A_48 : memref<1x!tpu.dma_semaphore, #tpu.memory_space<semaphore_mem>> -> memref<!tpu.dma_semaphore, #tpu.memory_space<semaphore_mem>>
    %dma_wait3A_50 = arith.constant 0 : i32
    %dma_wait3A_51 = tpu.memref_slice %arg4[%mul3A_4, %dma_wait3A_50] : memref<204800x128xf32, #tpu.memory_space<hbm>> -> memref<128x128xf32, #tpu.memory_space<hbm>>
    %dma_wait3A_52 = arith.constant 0 : i32
    %dma_wait3A_53 = arith.constant 0 : i32
    %dma_wait3A_54 = tpu.memref_slice %arg6[%dma_wait3A, %dma_wait3A_52, %dma_wait3A_53] : memref<4x128x128xf32, #tpu.memory_space<vmem>> -> memref<1x128x128xf32, #tpu.memory_space<vmem>>
    %dma_wait3A_55 = tpu.memref_squeeze %dma_wait3A_54 : memref<1x128x128xf32, #tpu.memory_space<vmem>> -> memref<128x128xf32, #tpu.memory_space<vmem>>
    tpu.wait_dma2 semaphore(%dma_wait3A_49 : memref<!tpu.dma_semaphore, #tpu.memory_space<semaphore_mem>>) src(%dma_wait3A_55 : memref<128x128xf32, #tpu.memory_space<vmem>>) dst(%dma_wait3A_51 : memref<128x128xf32, #tpu.memory_space<hbm>>)
    %dma_wait3A_56 = arith.constant 2 : i32
    %dma_wait3A_57 = arith.constant 2 : i32
    %dma_wait3A_58 = arith.constant 0 : i32
    %dma_wait3A_59 = arith.constant 0 : i32
    %dma_wait3A_60 = tpu.memref_slice %arg6[%dma_wait3A_56, %dma_wait3A_58, %dma_wait3A_59] : memref<4x128x128xf32, #tpu.memory_space<vmem>> -> memref<1x128x128xf32, #tpu.memory_space<vmem>>
    %dma_wait3A_61 = tpu.memref_squeeze %dma_wait3A_60 : memref<1x128x128xf32, #tpu.memory_space<vmem>> -> memref<128x128xf32, #tpu.memory_space<vmem>>
    %dma_wait3A_62 = arith.constant 0 : i32
    %dma_wait3A_63 = tpu.memref_slice %arg4[%mul3A_4, %dma_wait3A_62] : memref<204800x128xf32, #tpu.memory_space<hbm>> -> memref<128x128xf32, #tpu.memory_space<hbm>>
    %dma_wait3A_64 = tpu.memref_slice %arg8[%dma_wait3A_57] : memref<4x!tpu.dma_semaphore, #tpu.memory_space<semaphore_mem>> -> memref<1x!tpu.dma_semaphore, #tpu.memory_space<semaphore_mem>>
    %dma_wait3A_65 = tpu.memref_squeeze %dma_wait3A_64 : memref<1x!tpu.dma_semaphore, #tpu.memory_space<semaphore_mem>> -> memref<!tpu.dma_semaphore, #tpu.memory_space<semaphore_mem>>
    %dma_wait3A_66 = arith.constant 0 : i32
    %dma_wait3A_67 = tpu.memref_slice %arg4[%mul3A_4, %dma_wait3A_66] : memref<204800x128xf32, #tpu.memory_space<hbm>> -> memref<128x128xf32, #tpu.memory_space<hbm>>
    %dma_wait3A_68 = arith.constant 0 : i32
    %dma_wait3A_69 = arith.constant 0 : i32
    %dma_wait3A_70 = tpu.memref_slice %arg6[%dma_wait3A_56, %dma_wait3A_68, %dma_wait3A_69] : memref<4x128x128xf32, #tpu.memory_space<vmem>> -> memref<1x128x128xf32, #tpu.memory_space<vmem>>
    %dma_wait3A_71 = tpu.memref_squeeze %dma_wait3A_70 : memref<1x128x128xf32, #tpu.memory_space<vmem>> -> memref<128x128xf32, #tpu.memory_space<vmem>>
    tpu.wait_dma2 semaphore(%dma_wait3A_65 : memref<!tpu.dma_semaphore, #tpu.memory_space<semaphore_mem>>) src(%dma_wait3A_71 : memref<128x128xf32, #tpu.memory_space<vmem>>) dst(%dma_wait3A_67 : memref<128x128xf32, #tpu.memory_space<hbm>>)
    %dma_wait3A_72 = arith.constant 1 : i32
    %dma_wait3A_73 = arith.constant 1 : i32
    %dma_wait3A_74 = arith.constant 0 : i32
    %dma_wait3A_75 = arith.constant 0 : i32
    %dma_wait3A_76 = tpu.memref_slice %arg6[%dma_wait3A_72, %dma_wait3A_74, %dma_wait3A_75] : memref<4x128x128xf32, #tpu.memory_space<vmem>> -> memref<1x72x128xf32, #tpu.memory_space<vmem>>
    %dma_wait3A_77 = tpu.memref_squeeze %dma_wait3A_76 : memref<1x72x128xf32, #tpu.memory_space<vmem>> -> memref<72x128xf32, #tpu.memory_space<vmem>>
    %dma_wait3A_78 = arith.constant 0 : i32
    %dma_wait3A_79 = tpu.memref_slice %arg4[%mul3A_4, %dma_wait3A_78] : memref<204800x128xf32, #tpu.memory_space<hbm>> -> memref<72x128xf32, #tpu.memory_space<hbm>>
    %dma_wait3A_80 = tpu.memref_slice %arg8[%dma_wait3A_73] : memref<4x!tpu.dma_semaphore, #tpu.memory_space<semaphore_mem>> -> memref<1x!tpu.dma_semaphore, #tpu.memory_space<semaphore_mem>>
    %dma_wait3A_81 = tpu.memref_squeeze %dma_wait3A_80 : memref<1x!tpu.dma_semaphore, #tpu.memory_space<semaphore_mem>> -> memref<!tpu.dma_semaphore, #tpu.memory_space<semaphore_mem>>
    %dma_wait3A_82 = arith.constant 0 : i32
    %dma_wait3A_83 = tpu.memref_slice %arg4[%mul3A_4, %dma_wait3A_82] : memref<204800x128xf32, #tpu.memory_space<hbm>> -> memref<72x128xf32, #tpu.memory_space<hbm>>
    %dma_wait3A_84 = arith.constant 0 : i32
    %dma_wait3A_85 = arith.constant 0 : i32
    %dma_wait3A_86 = tpu.memref_slice %arg6[%dma_wait3A_72, %dma_wait3A_84, %dma_wait3A_85] : memref<4x128x128xf32, #tpu.memory_space<vmem>> -> memref<1x72x128xf32, #tpu.memory_space<vmem>>
    %dma_wait3A_87 = tpu.memref_squeeze %dma_wait3A_86 : memref<1x72x128xf32, #tpu.memory_space<vmem>> -> memref<72x128xf32, #tpu.memory_space<vmem>>
    tpu.wait_dma2 semaphore(%dma_wait3A_81 : memref<!tpu.dma_semaphore, #tpu.memory_space<semaphore_mem>>) src(%dma_wait3A_87 : memref<72x128xf32, #tpu.memory_space<vmem>>) dst(%dma_wait3A_83 : memref<72x128xf32, #tpu.memory_space<hbm>>)
    %dma_wait3A_88 = arith.constant 3 : i32
    %dma_wait3A_89 = arith.constant 3 : i32
    %dma_wait3A_90 = arith.constant 0 : i32
    %dma_wait3A_91 = arith.constant 0 : i32
    %dma_wait3A_92 = tpu.memref_slice %arg6[%dma_wait3A_88, %dma_wait3A_90, %dma_wait3A_91] : memref<4x128x128xf32, #tpu.memory_space<vmem>> -> memref<1x72x128xf32, #tpu.memory_space<vmem>>
    %dma_wait3A_93 = tpu.memref_squeeze %dma_wait3A_92 : memref<1x72x128xf32, #tpu.memory_space<vmem>> -> memref<72x128xf32, #tpu.memory_space<vmem>>
    %dma_wait3A_94 = arith.constant 0 : i32
    %dma_wait3A_95 = tpu.memref_slice %arg4[%mul3A_4, %dma_wait3A_94] : memref<204800x128xf32, #tpu.memory_space<hbm>> -> memref<72x128xf32, #tpu.memory_space<hbm>>
    %dma_wait3A_96 = tpu.memref_slice %arg8[%dma_wait3A_89] : memref<4x!tpu.dma_semaphore, #tpu.memory_space<semaphore_mem>> -> memref<1x!tpu.dma_semaphore, #tpu.memory_space<semaphore_mem>>
    %dma_wait3A_97 = tpu.memref_squeeze %dma_wait3A_96 : memref<1x!tpu.dma_semaphore, #tpu.memory_space<semaphore_mem>> -> memref<!tpu.dma_semaphore, #tpu.memory_space<semaphore_mem>>
    %dma_wait3A_98 = arith.constant 0 : i32
    %dma_wait3A_99 = tpu.memref_slice %arg4[%mul3A_4, %dma_wait3A_98] : memref<204800x128xf32, #tpu.memory_space<hbm>> -> memref<72x128xf32, #tpu.memory_space<hbm>>
    %dma_wait3A_100 = arith.constant 0 : i32
    %dma_wait3A_101 = arith.constant 0 : i32
    %dma_wait3A_102 = tpu.memref_slice %arg6[%dma_wait3A_88, %dma_wait3A_100, %dma_wait3A_101] : memref<4x128x128xf32, #tpu.memory_space<vmem>> -> memref<1x72x128xf32, #tpu.memory_space<vmem>>
    %dma_wait3A_103 = tpu.memref_squeeze %dma_wait3A_102 : memref<1x72x128xf32, #tpu.memory_space<vmem>> -> memref<72x128xf32, #tpu.memory_space<vmem>>
    tpu.wait_dma2 semaphore(%dma_wait3A_97 : memref<!tpu.dma_semaphore, #tpu.memory_space<semaphore_mem>>) src(%dma_wait3A_103 : memref<72x128xf32, #tpu.memory_space<vmem>>) dst(%dma_wait3A_99 : memref<72x128xf32, #tpu.memory_space<hbm>>)
    return
  }
}

#map = affine_map<(d0, d1) -> (0, 0)>
#map1 = affine_map<(d0, d1) -> (0)>
module attributes {stable_mosaic.version = 14 : i64} {
  func.func @k(%arg0: i32, %arg1: i32, %arg2: memref<1024x256xi32, #tpu.memory_space<hbm>>, %arg3: memref<100352xf32, #tpu.memory_space<hbm>>, %arg4: memref<204800xf32, #tpu.memory_space<hbm>>, %arg5: memref<100352xf32, #tpu.memory_space<vmem>>, %arg6: memref<32x256xi32, #tpu.memory_space<vmem>>, %arg7: memref<6400xf32, #tpu.memory_space<vmem>>) attributes {dimension_semantics = [#tpu.dimension_semantics<core_parallel>, #tpu.dimension_semantics<subcore_parallel>], iteration_bounds = array<i64: 2, 16>, scalar_prefetch = 0 : i64, scratch_operands = 3 : i64, tpu.core_type = #tpu.core_type<sc_vector_subcore>, window_params = [{transform_indices = #map}, {transform_indices = #map1}, {transform_indices = #map1}]} {
    %mul3A = arith.constant 2 : i32
    %mul3A_0 = arith.muli %arg1, %mul3A : i32
    %add3A = arith.addi %mul3A_0, %arg0 : i32
    "tpu.region"() ({
      %run_scoped3A = tpu.sem_alloc : memref<!tpu.dma_semaphore, #tpu.memory_space<semaphore_mem>>
      tpu.enqueue_dma source(%arg3 : memref<100352xf32, #tpu.memory_space<hbm>>) target(%arg5 : memref<100352xf32, #tpu.memory_space<vmem>>) target_semaphore(%run_scoped3A : memref<!tpu.dma_semaphore, #tpu.memory_space<semaphore_mem>>)
      tpu.wait_dma2 semaphore(%run_scoped3A : memref<!tpu.dma_semaphore, #tpu.memory_space<semaphore_mem>>) src(%arg3 : memref<100352xf32, #tpu.memory_space<hbm>>) dst(%arg5 : memref<100352xf32, #tpu.memory_space<vmem>>)
      tpu.yield
    }) : () -> ()
    %mul3A_1 = arith.constant 32 : i32
    %mul3A_2 = arith.muli %add3A, %mul3A_1 : i32
    "tpu.region"() ({
      %run_scoped3A = tpu.sem_alloc : memref<!tpu.dma_semaphore, #tpu.memory_space<semaphore_mem>>
      %dma_start3A = arith.constant 0 : i32
      %dma_start3A_10 = tpu.memref_slice %arg2[%mul3A_2, %dma_start3A] : memref<1024x256xi32, #tpu.memory_space<hbm>> -> memref<32x256xi32, #tpu.memory_space<hbm>>
      %dma_start3A_11 = arith.constant 0 : i32
      %dma_start3A_12 = tpu.memref_slice %arg2[%mul3A_2, %dma_start3A_11] : memref<1024x256xi32, #tpu.memory_space<hbm>> -> memref<32x256xi32, #tpu.memory_space<hbm>>
      tpu.enqueue_dma source(%dma_start3A_12 : memref<32x256xi32, #tpu.memory_space<hbm>>) target(%arg6 : memref<32x256xi32, #tpu.memory_space<vmem>>) target_semaphore(%run_scoped3A : memref<!tpu.dma_semaphore, #tpu.memory_space<semaphore_mem>>)
      %dma_wait3A = arith.constant 0 : i32
      %dma_wait3A_13 = tpu.memref_slice %arg2[%mul3A_2, %dma_wait3A] : memref<1024x256xi32, #tpu.memory_space<hbm>> -> memref<32x256xi32, #tpu.memory_space<hbm>>
      %dma_wait3A_14 = arith.constant 0 : i32
      %dma_wait3A_15 = tpu.memref_slice %arg2[%mul3A_2, %dma_wait3A_14] : memref<1024x256xi32, #tpu.memory_space<hbm>> -> memref<32x256xi32, #tpu.memory_space<hbm>>
      tpu.wait_dma2 semaphore(%run_scoped3A : memref<!tpu.dma_semaphore, #tpu.memory_space<semaphore_mem>>) src(%dma_wait3A_15 : memref<32x256xi32, #tpu.memory_space<hbm>>) dst(%arg6 : memref<32x256xi32, #tpu.memory_space<vmem>>)
      tpu.yield
    }) : () -> ()
    %scan3A = arith.constant 0 : i32
    %scan3A_3 = arith.constant 0 : i32
    %scan3A_4 = arith.constant 416 : i32
    %scan3A_5 = arith.addi %scan3A_3, %scan3A_4 : i32
    %scan3A_6 = arith.constant 1 : i32
    scf.for %scan3A_10 = %scan3A_3 to %scan3A_5 step %scan3A_6  : i32 {
      %jit3A = arith.constant 13 : i32
      %div3A = arith.divsi %scan3A_10, %jit3A : i32
      %sign3A = arith.constant 0 : i32
      %sign3A_11 = arith.cmpi sgt, %scan3A_10, %sign3A : i32
      %sign3A_12 = arith.extui %sign3A_11 : i1 to i32
      %sign3A_13 = arith.constant 0 : i32
      %sign3A_14 = arith.cmpi slt, %scan3A_10, %sign3A_13 : i32
      %sign3A_15 = arith.extui %sign3A_14 : i1 to i32
      %sign3A_16 = arith.subi %sign3A_12, %sign3A_15 : i32
      %sign3A_17 = arith.constant 0 : i32
      %sign3A_18 = arith.cmpi sgt, %jit3A, %sign3A_17 : i32
      %sign3A_19 = arith.extui %sign3A_18 : i1 to i32
      %sign3A_20 = arith.constant 0 : i32
      %sign3A_21 = arith.cmpi slt, %jit3A, %sign3A_20 : i32
      %sign3A_22 = arith.extui %sign3A_21 : i1 to i32
      %sign3A_23 = arith.subi %sign3A_19, %sign3A_22 : i32
      %ne3A = arith.cmpi ne, %sign3A_16, %sign3A_23 : i32
      %rem3A = arith.remsi %scan3A_10, %jit3A : i32
      %ne3A_24 = arith.constant 0 : i32
      %ne3A_25 = arith.cmpi ne, %rem3A, %ne3A_24 : i32
      %and3A = arith.andi %ne3A, %ne3A_25 : i1
      %sub3A = arith.constant 1 : i32
      %sub3A_26 = arith.subi %div3A, %sub3A : i32
      %select_n3A = arith.select %and3A, %sub3A_26, %div3A : i32
      %mul3A_27 = arith.constant 13 : i32
      %mul3A_28 = arith.muli %select_n3A, %mul3A_27 : i32
      %sub3A_29 = arith.subi %scan3A_10, %mul3A_28 : i32
      %mul3A_30 = arith.constant 16 : i32
      %mul3A_31 = arith.muli %sub3A_29, %mul3A_30 : i32
      %min3A = arith.constant 184 : i32
      %min3A_32 = arith.minsi %mul3A_31, %min3A : i32
      %get3A = arith.index_cast %select_n3A : i32 to index
      %get3A_33 = arith.index_cast %min3A_32 : i32 to index
      %get3A_34 = tpu.vector_load %arg6[%get3A, %get3A_33] {strides = array<i32>} : memref<32x256xi32, #tpu.memory_space<vmem>>, vector<16xi32>,
      %gather3A = tpu.vector_load_idx %arg5[%get3A_34] : memref<100352xf32, #tpu.memory_space<vmem>>[vector<16xi32>], vector<16xf32>,
      %eq3A = arith.constant 0.000000e+00 : f32
      %eq3A_35 = vector.broadcast %eq3A : f32 to vector<16xf32>
      %eq3A_36 = arith.cmpf oeq, %gather3A, %eq3A_35 : vector<16xf32>
      %jit3A_37 = arith.constant 1.000000e+00 : f32
      %jit3A_38 = arith.constant 0.000000e+00 : f32
      %broadcast_in_dim3A = vector.broadcast %jit3A_37 : f32 to vector<16xf32>
      %broadcast_in_dim3A_39 = vector.broadcast %jit3A_38 : f32 to vector<16xf32>
      %select_n3A_40 = arith.select %eq3A_36, %broadcast_in_dim3A, %broadcast_in_dim3A_39 : vector<16xi1>, vector<16xf32>
      %mul3A_41 = arith.constant 200 : i32
      %mul3A_42 = arith.muli %select_n3A, %mul3A_41 : i32
      %add3A_43 = arith.addi %mul3A_42, %min3A_32 : i32
      %swap3A = arith.index_cast %add3A_43 : i32 to index
      %swap3A_44 = tpu.vector_load %arg7[%swap3A] {strides = array<i32>} : memref<6400xf32, #tpu.memory_space<vmem>>, vector<16xf32>,
      tpu.vector_store %arg7[%swap3A], %select_n3A_40 {strides = array<i32>} : memref<6400xf32, #tpu.memory_space<vmem>>, vector<16xf32>,
    }
    %scan3A_7 = arith.constant 416 : i32
    %mul3A_8 = arith.constant 6400 : i32
    %mul3A_9 = arith.muli %add3A, %mul3A_8 : i32
    "tpu.region"() ({
      %run_scoped3A = tpu.sem_alloc : memref<!tpu.dma_semaphore, #tpu.memory_space<semaphore_mem>>
      %dma_start3A = tpu.memref_slice %arg4[%mul3A_9] : memref<204800xf32, #tpu.memory_space<hbm>> -> memref<6400xf32, #tpu.memory_space<hbm>>
      %dma_start3A_10 = tpu.memref_slice %arg4[%mul3A_9] : memref<204800xf32, #tpu.memory_space<hbm>> -> memref<6400xf32, #tpu.memory_space<hbm>>
      tpu.enqueue_dma source(%arg7 : memref<6400xf32, #tpu.memory_space<vmem>>) target(%dma_start3A_10 : memref<6400xf32, #tpu.memory_space<hbm>>) target_semaphore(%run_scoped3A : memref<!tpu.dma_semaphore, #tpu.memory_space<semaphore_mem>>)
      %dma_wait3A = tpu.memref_slice %arg4[%mul3A_9] : memref<204800xf32, #tpu.memory_space<hbm>> -> memref<6400xf32, #tpu.memory_space<hbm>>
      %dma_wait3A_11 = tpu.memref_slice %arg4[%mul3A_9] : memref<204800xf32, #tpu.memory_space<hbm>> -> memref<6400xf32, #tpu.memory_space<hbm>>
      tpu.wait_dma2 semaphore(%run_scoped3A : memref<!tpu.dma_semaphore, #tpu.memory_space<semaphore_mem>>) src(%arg7 : memref<6400xf32, #tpu.memory_space<vmem>>) dst(%dma_wait3A_11 : memref<6400xf32, #tpu.memory_space<hbm>>)
      tpu.yield
    }) : () -> ()
    return
  }
}

module attributes {stable_mosaic.version = 14 : i64} {
  func.func @body(%arg0: i32, %arg1: memref<2048x64xf32, #tpu.memory_space<vmem>>, %arg2: memref<64x128xf32, #tpu.memory_space<vmem>>, %arg3: memref<1x128xf32, #tpu.memory_space<vmem>>, %arg4: memref<2048x128xf32, #tpu.memory_space<vmem>>, %arg5: memref<16x128xf32, #tpu.memory_space<vmem>>) attributes {dimension_semantics = [#tpu.dimension_semantics<arbitrary>], iteration_bounds = array<i64: 49>, scalar_prefetch = 0 : i64, scratch_operands = 0 : i64, tpu.core_type = #tpu.core_type<tc>, window_params = [{transform_indices = @transform_0, window_bounds = array<i64: 2048, 64>}, {pipeline_mode = #tpu.pipeline_mode<synchronous>, transform_indices = @transform_1, window_bounds = array<i64: 64, 128>}, {pipeline_mode = #tpu.pipeline_mode<synchronous>, transform_indices = @transform_2, window_bounds = array<i64: 1, 128>}, {transform_indices = @transform_3, window_bounds = array<i64: 2048, 128>}, {transform_indices = @transform_4, window_bounds = array<i64: 16, 128>}]} {
    %get3A = arith.constant 0 : index
    %get3A_0 = arith.constant 0 : index
    %get3A_1 = vector.load %arg1[%get3A, %get3A_0] : memref<2048x64xf32, #tpu.memory_space<vmem>>, vector<2048x64xf32>
    %get3A_2 = arith.constant 0 : index
    %get3A_3 = arith.constant 0 : index
    %get3A_4 = vector.load %arg2[%get3A_2, %get3A_3] : memref<64x128xf32, #tpu.memory_space<vmem>>, vector<64x128xf32>
    %dot_general3A = arith.constant dense<0.000000e+00> : vector<2048x128xf32>
    %dot_general3A_5 = tpu.matmul %get3A_1, %get3A_4, %dot_general3A {dimension_numbers = #tpu.dot_dimension_numbers<[1], [0], [0], [1], [0, 0, 1, 1], [], []>, transpose_lhs_hint = false} : vector<2048x64xf32>, vector<64x128xf32>, vector<2048x128xf32> -> vector<2048x128xf32>
    %get3A_6 = arith.constant 0 : index
    %get3A_7 = arith.constant 0 : index
    %get3A_8 = vector.load %arg3[%get3A_6, %get3A_7] : memref<1x128xf32, #tpu.memory_space<vmem>>, vector<1x128xf32>
    %add3A = vector.broadcast %get3A_8 : vector<1x128xf32> to vector<2048x128xf32>
    %add3A_9 = arith.addf %dot_general3A_5, %add3A : vector<2048x128xf32>
    %integer_pow3A = arith.mulf %add3A_9, %add3A_9 : vector<2048x128xf32>
    %integer_pow3A_10 = arith.mulf %add3A_9, %integer_pow3A : vector<2048x128xf32>
    %mul3A = arith.constant 4.471500e-02 : f32
    %mul3A_11 = vector.broadcast %mul3A : f32 to vector<2048x128xf32>
    %mul3A_12 = arith.mulf %mul3A_11, %integer_pow3A_10 : vector<2048x128xf32>
    %add3A_13 = arith.addf %add3A_9, %mul3A_12 : vector<2048x128xf32>
    %mul3A_14 = arith.constant 0.797884583 : f32
    %mul3A_15 = vector.broadcast %mul3A_14 : f32 to vector<2048x128xf32>
    %mul3A_16 = arith.mulf %mul3A_15, %add3A_13 : vector<2048x128xf32>
    %tanh3A = math.tanh %mul3A_16 : vector<2048x128xf32>
    %add3A_17 = arith.constant 1.000000e+00 : f32
    %add3A_18 = vector.broadcast %add3A_17 : f32 to vector<2048x128xf32>
    %add3A_19 = arith.addf %add3A_18, %tanh3A : vector<2048x128xf32>
    %mul3A_20 = arith.constant 5.000000e-01 : f32
    %mul3A_21 = vector.broadcast %mul3A_20 : f32 to vector<2048x128xf32>
    %mul3A_22 = arith.mulf %mul3A_21, %add3A_19 : vector<2048x128xf32>
    %mul3A_23 = arith.mulf %add3A_9, %mul3A_22 : vector<2048x128xf32>
    %swap3A = arith.constant 0 : index
    %swap3A_24 = arith.constant 0 : index
    %swap3A_25 = vector.load %arg4[%swap3A, %swap3A_24] : memref<2048x128xf32, #tpu.memory_space<vmem>>, vector<2048x128xf32>
    tpu.vector_store %arg4[%swap3A, %swap3A_24], %mul3A_23 {strides = array<i32>} : memref<2048x128xf32, #tpu.memory_space<vmem>>, vector<2048x128xf32>,
    %reshape3A = vector.shape_cast %get3A_1 : vector<2048x64xf32> to vector<16x128x64xf32>
    %reduce_sum3A = arith.constant dense<0.000000e+00> : vector<16x128xf32>
    %reduce_sum3A_26 = vector.multi_reduction <add>, %reshape3A, %reduce_sum3A [2] : vector<16x128x64xf32> to vector<16x128xf32>
    %swap3A_27 = arith.constant 0 : index
    %swap3A_28 = arith.constant 0 : index
    %swap3A_29 = vector.load %arg5[%swap3A_27, %swap3A_28] : memref<16x128xf32, #tpu.memory_space<vmem>>, vector<16x128xf32>
    tpu.vector_store %arg5[%swap3A_27, %swap3A_28], %reduce_sum3A_26 {strides = array<i32>} : memref<16x128xf32, #tpu.memory_space<vmem>>, vector<16x128xf32>,
    return
  }
  func.func @transform_0(%arg0: i32) -> (i32, i32) {
    %c0_i32 = arith.constant 0 : i32
    %c0_i32_0 = arith.constant 0 : i32
    return %arg0, %c0_i32 : i32, i32
  }
  func.func @transform_1(%arg0: i32) -> (i32, i32) {
    %c0_i32 = arith.constant 0 : i32
    %c0_i32_0 = arith.constant 0 : i32
    %c0_i32_1 = arith.constant 0 : i32
    return %c0_i32, %c0_i32_0 : i32, i32
  }
  func.func @transform_2(%arg0: i32) -> (i32, i32) {
    %c0_i32 = arith.constant 0 : i32
    %c0_i32_0 = arith.constant 0 : i32
    %c0_i32_1 = arith.constant 0 : i32
    return %c0_i32, %c0_i32_0 : i32, i32
  }
  func.func @transform_3(%arg0: i32) -> (i32, i32) {
    %c0_i32 = arith.constant 0 : i32
    %c0_i32_0 = arith.constant 0 : i32
    return %arg0, %c0_i32 : i32, i32
  }
  func.func @transform_4(%arg0: i32) -> (i32, i32) {
    %c0_i32 = arith.constant 0 : i32
    %c0_i32_0 = arith.constant 0 : i32
    return %arg0, %c0_i32 : i32, i32
  }
}

</mosaic_0001>

<sc_bundles>
// kernel: kernel.5.cloned.1.call-start
scs
__scs_entry_jumppad:
0x0: {  	(pc) =	sbr.rel $0x88, $3  }
0x1: {  	(tag) =	ssettag $0x0;
	lr =	simm.s32 $0x1  }
0x2: {  	[smem:$0x3F9D] =	sst lr;
	_ =	strace $0xD0000000  }
0x3: {  	_ = 	snop  }
0x4: {  	_ = 	snop  }
0x5: {  	_ = 	snop  }
0x6: {  	_ = 	snop  }
0x7: {  	_ = 	snop  }
__scs_overlays_trampoline_lowered:
0x8: {  	[smem:$0x3FAC] =	sst s0  }
0x9: {  	[smem:$0x3FAD] =	sst s1  }
0xa: {  	[smem:$0x3FAE] =	sst s2  }
0xb: {  	[smem:$0x3FAF] =	sst s3  }
0xc: {  	[smem:$0x3FB0] =	sst s4  }
0xd: {  	[smem:$0x3FB1] =	sst s5  }
0xe: {  	[smem:$0x3FB2] =	sst s6  }
0xf: {  	[smem:$0x3FB3] =	sst s7  }
0x10: {  	[smem:$0x3FB4] =	sst s8  }
0x11: {  	[smem:$0x3FB5] =	sst s9;
	s0 =	simm.s32 @!p0 $0x0  }
0x12: {  	s1 =	sld [smem:$0x3F9B];
	s0 =	simm.s32 @p0 $0x1  }
0x13: {  	[smem:$0x3FB6] =	sst s0;
	s0 =	simm.s32 @!p1 $0x0  }
0x14: {  	s2 =	sld [smem:$0x3F9A];
	s0 =	simm.s32 @p1 $0x1  }
0x15: {  	[smem:$0x3FB7] =	sst s0;
	s0 =	simm.s32 @!p2 $0x0  }
0x16: {  	s3 =	sld [smem:$0x3FDB];
	s0 =	simm.s32 @p2 $0x1  }
0x17: {  	s4 =	simm.s32 $0x1BF5;
	[smem:$0x3FB9] =	sst s0  }
0x18: {  	s0 =	sld [smem:$0x3F9C];
	_ =	swait.ge [sflag:s4], $0x0  }
0x19: {  	s7 =	sld [smem:$0x3F9D]  }
0x1a: {  	s8 =	sadd.s32 $0xFFFFE003, lr  }
0x1b: {  	s9 =	sadd.s32 $0xFFFFFEF7, lr;
	s5 =	simm.s32 $0xFFFFFFFF;
	p2 =	slt.u32 s8, $0xFFFFF086  }
0x1c: {  	p1 =	slt.u32 s9, $0xF7A;
	s5 =	simm.s32 @!p2 $0x0  }
0x1d: {  	s5 =	simm.s32 @p1 $0x1;
	p0 =	seq.s32 s7, s2  }
0x1e: {  	s7 =	smul.u32 @!p0 $0xF7A, s2;
	p2 =	seq.s32 @!p0 s5, $0x0  }
0x1f: {  	s9 =	smul.u32 $0xF7A, s1;
	s8 =	simm.s32 @!p0 $0x1BF5;
	p2 =	por !p2, p0  }
0x20: {  	[sflag:s8] =	ssyncset.s32 @!p0 $0xFFFFF086;
	s6 =	sadd.s32 @!p0 s3, s7;
	s7 =	simm.s32 @!p0 $0x108  }
0x21: {  	s3 =	sadd.s32 s3, s9;
	s6 =	sadd.s32 @!p0 $0x88, s6;
	s7 =	simm.s32 @p2 $0x1082  }
0x22: {  	[simem:s7], [sflag:s8] =	dma.local @!p0 [hbm:s6], $0xF7A  }
0x23: {  	s9 =	sor.u32 $0xD0000000, s2;
	s6 =	simm.s32 $0x108;
	_ =	swait.ge @!p0 [sflag:s8], $0x0  }
0x24: {  	s3 =	sadd.s32 $0x88, s3;
	s6 =	simm.s32 @!p1 $0x1082;
	[sflag:s4] =	ssyncset.s32 $0xFFFFF086  }
0x25: {  	[simem:s6], [sflag:s4] =	dma.local [hbm:s3], $0xF7A  }
0x26: {  	[smem:$0x3F9D] =	sst s1;
	(tag) =	ssettag s2;
	_ =	strace s9  }
0x27: {  	s1 =	sld [smem:$0x3FAD]  }
0x28: {  	s2 =	sld [smem:$0x3FAE]  }
0x29: {  	s4 =	sld [smem:$0x3FB0]  }
0x2a: {  	p0 =	seq.s32 s5, $0x0;
	s5 =	sld [smem:$0x3FB1]  }
0x2b: {  	s6 =	sld [smem:$0x3FB2]  }
0x2c: {  	s7 =	sld [smem:$0x3FB3]  }
0x2d: {  	s3 =	simm.s32 $0x108;
	s8 =	sld [smem:$0x3FB4]  }
0x2e: {  	s3 =	simm.s32 @!p0 $0x1082;
	s9 =	sld [smem:$0x3FB5]  }
0x2f: {  	lr =	sadd.s32 s0, s3;
	s0 =	sld [smem:$0x3FAC]  }
0x30: {  	s3 =	sld [smem:$0x3FAF]  }
0x31: {  	[smem:$0x3FB8] =	sst s10  }
0x32: {  	s10 =	sld [smem:$0x3FB6];
	_ =	sdelay $0x3  }
0x33: {  	p0 =	seq.s32 s10, $0x1;
	s10 =	sld [smem:$0x3FB8];
	_ =	sdelay $0x3  }
0x34: {  	[smem:$0x3FB8] =	sst s10  }
0x35: {  	s10 =	sld [smem:$0x3FB7];
	_ =	sdelay $0x3  }
0x36: {  	p1 =	seq.s32 s10, $0x1;
	s10 =	sld [smem:$0x3FB8];
	_ =	sdelay $0x3  }
0x37: {  	[smem:$0x3FB8] =	sst s10  }
0x38: {  	s10 =	sld [smem:$0x3FB9]  }
0x39: {  	_ = 	snop;
	(pc) =	sbr.ind lr, $3  }
0x3a: {  	_ = 	snop  }
0x3b: {  	_ = 	snop  }
0x3c: {  	p2 =	seq.s32 s10, $0x1;
	s10 =	sld [smem:$0x3FB8]  }
0x3d: {  	_ =	shalt  }
0x3e: {  	_ =	shalt  }
0x3f: {  	_ =	shalt  }
0x40: {  	_ =	shalt  }
0x41: {  	_ =	shalt  }
0x42: {  	_ =	shalt  }
0x43: {  	_ =	shalt  }
0x44: {  	_ =	shalt  }
0x45: {  	_ =	shalt  }
0x46: {  	_ =	shalt  }
0x47: {  	_ =	shalt  }
0x48: {  	_ =	shalt  }
0x49: {  	_ =	shalt  }
0x4a: {  	_ =	shalt  }
0x4b: {  	_ =	shalt  }
0x4c: {  	_ =	shalt  }
0x4d: {  	_ =	shalt  }
0x4e: {  	_ =	shalt  }
0x4f: {  	_ =	shalt  }
0x50: {  	_ =	shalt  }
0x51: {  	_ =	shalt  }
0x52: {  	_ =	shalt  }
0x53: {  	_ =	shalt  }
0x54: {  	_ =	shalt  }
0x55: {  	_ =	shalt  }
0x56: {  	_ =	shalt  }
0x57: {  	_ =	shalt  }
0x58: {  	_ =	shalt  }
0x59: {  	_ =	shalt  }
0x5a: {  	_ =	shalt  }
0x5b: {  	_ =	shalt  }
0x5c: {  	_ =	shalt  }
0x5d: {  	_ =	shalt  }
0x5e: {  	_ =	shalt  }
0x5f: {  	_ =	shalt  }
0x60: {  	_ =	shalt  }
0x61: {  	_ =	shalt  }
0x62: {  	_ =	shalt  }
0x63: {  	_ =	shalt  }
0x64: {  	_ =	shalt  }
0x65: {  	_ =	shalt  }
0x66: {  	_ =	shalt  }
0x67: {  	_ =	shalt  }
0x68: {  	_ =	shalt  }
0x69: {  	_ =	shalt  }
0x6a: {  	_ =	shalt  }
0x6b: {  	_ =	shalt  }
0x6c: {  	_ =	shalt  }
0x6d: {  	_ =	shalt  }
0x6e: {  	_ =	shalt  }
0x6f: {  	_ =	shalt  }
0x70: {  	_ =	shalt  }
0x71: {  	_ =	shalt  }
0x72: {  	_ =	shalt  }
0x73: {  	_ =	shalt  }
0x74: {  	_ =	shalt  }
0x75: {  	_ =	shalt  }
0x76: {  	_ =	shalt  }
0x77: {  	_ =	shalt  }
0x78: {  	_ =	shalt  }
0x79: {  	_ =	shalt  }
0x7a: {  	_ =	shalt  }
0x7b: {  	_ =	shalt  }
0x7c: {  	_ =	shalt  }
0x7d: {  	_ =	shalt  }
0x7e: {  	_ =	shalt  }
0x7f: {  	_ =	shalt  }
0x80: {  	_ =	shalt  }
0x81: {  	_ =	shalt  }
0x82: {  	_ =	shalt  }
0x83: {  	_ =	shalt  }
0x84: {  	_ =	shalt  }
0x85: {  	_ =	shalt  }
0x86: {  	_ =	shalt  }
0x87: {  	_ =	shalt  }
.Lfunc_end0:
.L_simem_size_0:
called_computation_lowered:
.L_overlay_start_0:
0x88: {  	s2 =	sld [smem:$0x3FD9]  }
0x89: {  	s3 =	sld [smem:$0x3FFE];
	_ =	sdelay $0x1  }
0x8a: {  	s1 =	srdreg.scid  }
0x8b: {  	s0 =	sand.u32 $0x1, s1  }
0x8c: {  	s15 =	sshll.u32 s0, $0xA;
	s2 =	sadd.s32 s3, s2  }
0x8d: {  	s2 =	sadd.s32 s2, s15  }
0x8e: {  	[smem:$0x3FC4] =	sst s2  }
0x8f: {  	_ = 	snop  }
0x90: {  	s2 =	sld [smem:$0x3FD0];
	_ =	sdelay $0x2  }
0x91: {  	s16 =	simm.s32 $0xB;
	s4 =	simm.s32 $0x10  }
0x92: {  	[smem:s4], [sflag:s16] =	dma.local [hbm:s2], $0x1  }
0x93: {  	_ =	swait.eq [sflag:s16], $0x1  }
0x94: {  	[sflag:s16] =	ssyncset.done $0x0  }
0x95: {  	[sflag:s16] =	ssyncadd.s32 $0xFFFFFFFF  }
0x96: {  	s17 =	sld [smem:$0x10];
	(tm) =	ssettm $0x1  }
0x97: {  	s18 =	sld [smem:$0x3FFB];
	_ =	sdelay $0x3  }
0x98: {  	_ =	strace s18  }
0x99: {  	s2 =	sld [smem:$0x3FFC];
	_ =	sdelay $0x3  }
0x9a: {  	_ =	strace s2  }
0x9b: {  	s2 =	sld [smem:$0x3FFD];
	_ =	sdelay $0x3  }
0x9c: {  	_ =	strace s2  }
0x9d: {  	_ =	strace $0x8FFFFFFF  }
0x9e: {  	s19 =	sld [smem:$0x3FDB];
	_ =	sdelay $0x1  }
0x9f: {  	s20 =	simm.s32 $_scs_section_size  }
0xa0: {  	s5 =	simm.s32 $_size__tile_overlayer_lowered;
	s6 =	simm.s32 $_tile_overlayer_lowered  }
0xa1: {  	s7 =	simm.s32 $0x1BFF;
	s21 =	sshll.u32 s6, $0x1;
	s4 =	sadd.s32 s20, s19  }
0xa2: {  	s22 =	simm.s32 $0x0;
	s5 =	sshll.u32 s5, $0x1;
	s6 =	sadd.s32 s21, s4  }
0xa3: {  	[timem:s22], [sflag:s7] =	dma.local [hbm:s6], s5  }
0xa4: {  	_ =	swait.ge [sflag:s7], s5  }
0xa5: {  	s5 =	ssub.s32 $0x0, s5;
	[sflag:s7] =	ssyncset.done $0x0  }
0xa6: {  	[sflag:s7] =	ssyncadd.s32 s5;
	_ =	sdelay $0x1  }
0xa7: {  	s23 =	simm.s32 $0x1B8B  }
0xa8: {  	_ =	swait.ge [sflag:s23], $0x1  }
0xa9: {  	[sflag:s23] =	ssyncset.done $0x0  }
0xaa: {  	[sflag:s23] =	ssyncadd.s32 $0xFFFFFFFF  }
0xab: {  	s5 =	sld [smem:$0x0]  }
0xac: {  	s6 =	sand.u32 $0xFFFFFFFE, s1  }
0xad: {  	p0 =	sne.s32 s1, s6  }
0xae: {  	s6 =	sshll.u32 @p0 s6, $0xE  }
0xaf: {  	s6 =	sadd.s32 @p0 $0x11B8D, s6;
	s7 =	sshll.u32 @p0 s5, $0x11  }
0xb0: {  	s6 =	sor.u32 @p0 s7, s6  }
0xb1: {  	[sflag:s6] =	ssyncadd.remote.s32 @p0 $0x1;
	_ =	sdelay $0x1  }
0xb2: {  	s6 =	simm.s32 @p0 $0x1B8D  }
0xb3: {  	_ =	swait.eq @p0 [sflag:s6], $0x1  }
0xb4: {  	[sflag:s6] =	ssyncadd.s32 @p0 $0xFFFFFFFF  }
0xb5: {  	s7 =	sshll.u32 @!p0 s1, $0xE  }
0xb6: {  	s7 =	sor.u32 @!p0 $0x4000, s7;
	s6 =	simm.s32 @!p0 $0x1B8D  }
0xb7: {  	s5 =	sshll.u32 @!p0 s5, $0x11;
	s7 =	sadd.s32 @!p0 $0x11B8D, s7;
	_ =	swait.eq @!p0 [sflag:s6], $0x1  }
0xb8: {  	s5 =	sor.u32 @!p0 s5, s7;
	[sflag:s6] =	ssyncadd.s32 @!p0 $0xFFFFFFFF  }
0xb9: {  	s25 =	simm.s32 $0x1B8E;
	s24 =	sld [smem:$0x3FFE];
	[sflag:s5] =	ssyncadd.remote.s32 @!p0 $0x1  }
0xba: {  	s26 =	simm.s32 $execute0_lowered;
	[smem:$0x3FD2] =	sst s25  }
0xbb: {  	s6 =	sshll.u32 s26, $0x1;
	_ =	strace $0x80000049;
	[dreg:$0x1] =	wrdreg $0xFFFFFFFF  }
0xbc: {  	s28 =	simm.s32 $_size_execute0_lowered;
	s4 =	sadd.s32 s4, s6;
	[dreg:$0x0] =	wrdreg $0x0  }
0xbd: {  	s6 =	sshll.u32 s28, $0x1;
	[dreg:$0x2] =	wrdreg s4  }
0xbe: {  	[dreg:$0x3] =	wrdreg s6  }
0xbf: {  	[dreg:$0x4] =	wrdreg $0xC0  }
0xc0: {  	_ =	task [dreg:s22], $0x5FFFF  }
0xc1: {  	[dreg:$0x1] =	wrdreg $0xFFFFFFFF  }
0xc2: {  	[dreg:$0x0] =	wrdreg $0x60  }
0xc3: {  	[dreg:$0x2] =	wrdreg s24  }
0xc4: {  	[dreg:$0x3] =	wrdreg s17  }
0xc5: {  	[dreg:$0x4] =	wrdreg $0x9  }
0xc6: {  	_ =	task.clear_ibuf [dreg:s22], $0x5FFFF;
	_ =	strace $0x90000049  }
0xc7: {  	s29 =	simm.s32 $0x9;
	_ =	strace $0x8000004B  }
0xc8: {  	_ =	swait.ge [sflag:s29], $0x1  }
0xc9: {  	[sflag:s29] =	ssyncadd.s32 $0xFFFFFFFF  }
0xca: {  	_ =	strace $0x9000004B  }
0xcb: {  	_ =	sfence  }
0xcc: {  	s30 =	sld [smem:$0x0];
	_ =	sdelay $0x2  }
0xcd: {  	s31 =	sshll.u32 s1, $0xD;
	s1 =	sshrl.u32 s1, $0x2  }
0xce: {  	s4 =	sand.u32 $0x4000, s31;
	s1 =	sadd.s32 s1, s30  }
0xcf: {  	s0 =	sor.u32 s4, s0;
	s1 =	sshll.u32 s1, $0x11  }
0xd0: {  	s0 =	sor.u32 s1, s0  }
0xd1: {  	s0 =	sadd.s32 $0x8F2B, s0  }
0xd2: {  	[sflag:s0] =	ssyncadd.remote.s32 $0x1  }
0xd3: {  	_ =	sfence.sel $0xFFFF  }
0xd4: {  	[dreg:$0x0] =	wrdreg $0xFFFFFFFF;
	(pc) =	sbr.abs _section_cstart, $3  }
0xd5: {  	[dreg:$0x1] =	wrdreg $0xFFFFFFFF  }
0xd6: {  	_ =	task.clear_ibuf [dreg:s22], $0x2FFFF;
	_ =	strace $0x9FFFFFFF  }
0xd7: {  	(tm) =	ssettm $0x7FFFFFFF  }
tec
execute0_lowered:
.L_overlay_start_1:
0x0: {  	(tag) =	ssettag $0x1  }
0x1: {  	s0 =	rddreg [dreg:$0x0]  }
0x2: {  	s1 =	rddreg [dreg:$0x1]  }
0x3: {  	s3 =	srdreg.scid;
	s9 =	stileid.u32;
	s2 =	simm.s32 $0x0  }
0x4: {  	s11 =	simm.s32 $0x9;
	s12 =	simm.s32 $0x80;
	s14 =	simm.s32 $0x48  }
0x5: {  	s28 =	simm.s32 $0x8;
	s29 =	simm.s32 $0x0;
	s4 =	sand.u32 $0x1, s3  }
0x6: {  	s20 =	sshll.u32 s9, $0x1;
	[smem:$0x7FF] =	sst s2;
	s22 =	smul.u32 $0x32000, s9  }
0x7: {  	s23 =	sadd.s32 $0x800, s1;
	s3 =	sor.u32 s4, s20;
	_ =	strace $0x8000004A  }
0x8: {  	s6 =	ssub.s32 $0x2, s4;
	s4 =	smul.u32 $0x19000, s4;
	s20 =	simm.s32 $0x1  }
0x9: {  	s5 =	sshll.u32 s3, $0xA;
	s7 =	sshrl.u32 s6, $0x1;
	s8 =	smul.u32 $0x19000, s3  }
0xa: {  	s3 =	sadd.s32 $0x9000, s0;
	s25 =	sadd.s32 s22, s1;
	s5 =	sadd.s32 s5, s0  }
0xb: {  	s22 =	simm.s32 $0x3;
	s21 =	ssub.s32 s6, s7;
	s5 =	sadd.s32 $0x1000, s5  }
0xc: {  	s6 =	simm.s32 $0xE000;
	s0 =	smax.u32 s21, $0x1;
	[dreg:$0x3] =	wrdreg s5  }
0xd: {  	s24 =	sadd.s32 s1, s8;
	s26 =	sadd.s32 s8, s23;
	[dreg:$0x4] =	wrdreg s0  }
0xe: {  	s30 =	sadd.s32 $0x18380, s8;
	s21 =	simm.s32 $0x2;
	[dreg:$0x5] =	wrdreg s24  }
0xf: {  	[dreg:$0x6] =	wrdreg s26;
	s0 =	sadd.s32 s4, s25;
	s1 =	sadd.s32 s1, s30  }
0x10: {  	s31 =	sadd.s32 s30, s23;
	s5 =	simm.s32 $0xA000;
	s23 =	simm.s32 $0x4  }
0x11: {  	s24 =	simm.s32 $0x5;
	s25 =	simm.s32 $0x7;
	[dreg:$0x7] =	wrdreg s1  }
0x12: {  	s26 =	simm.s32 $0x6;
	[dreg:$0x8] =	wrdreg s31;
	s18 =	sadd.s32 $0x1480, s0  }
.LBB2_1:
0x13: {  	s0 =	rddreg [dreg:$0x3]  }
0x14: {  	[tilespmem:s2], [sflag:$0x9] =	stream.linear.gather [hbm4b:s0+s2], $0x2000, $0x38;
	[tilespmem:$0x12000] =	vst v63  }
0x15: {  	_ =	swait.ge [sflag:s11], $0x2000  }
0x16: {  	[sflag:s11] =	ssyncset.done $0x0  }
0x17: {  	s1 =	simm.s32 $0x2000;
	[sflag:s11] =	ssyncadd.s32 $0xFFFFE000  }
0x18: {  	[tilespmem:s1], [sflag:$0x1] =	stream.indirect.gather [hbm4b:s3+s12], $0x80, s2, s12, $0xb8;
	[tilespmem:$0x12000] =	vst v63  }
0x19: {  	s7 =	simm.s32 $0x400;
	s4 =	simm.s32 $0x6000  }
0x1a: {  	[tilespmem:s4], [sflag:$0x2] =	stream.indirect.gather [hbm4b:s3+s14], $0x80, s7, s14, $0xb8;
	[tilespmem:$0x12000] =	vst v63  }
0x1b: {  	_ = 	snop  }
0x1c: {  	[tilespmem:s5], [sflag:$0x3] =	stream.indirect.gather [hbm4b:s3+s12], $0x80, s12, s12, $0xb8;
	[tilespmem:$0x12000] =	vst v63  }
0x1d: {  	s8 =	simm.s32 $0x480  }
0x1e: {  	[tilespmem:s6], [sflag:$0x4] =	stream.indirect.gather [hbm4b:s3+s14], $0x80, s8, s14, $0xb8;
	[tilespmem:$0x12000] =	vst v63  }
0x1f: {  	s13 =	simm.s32 $0x2;
	s15 =	simm.s32 $0x200;
	_ =	swait.ge [sflag:s20], $0x4000  }
0x20: {  	s16 =	simm.s32 $0x100;
	s31 =	simm.s32 $0x7;
	[sflag:s20] =	ssyncset.done $0x0  }
0x21: {  	s5 =	sand.u32 $0x2, s13;
	s9 =	rddreg [dreg:$0x5];
	[sflag:s20] =	ssyncadd.s32 $0xFFFFC000  }
0x22: {  	[hbm4b:s9+s2] =	stream.linear.scatter [tilespmem:s1], [sflag:$0x5], $0x4000, $0x38;
	[tilespmem:$0x12000] =	vst v63  }
0x23: {  	s30 =	sadd.s32 $0xC80, s18;
	s17 =	sxor.u32 $0x2, s5;
	_ =	swait.ge [sflag:s21], $0x2400  }
0x24: {  	s0 =	sand.u32 $0x380, s16;
	s19 =	sor.u32 $0x5, s17;
	[sflag:s21] =	ssyncset.done $0x0  }
0x25: {  	s7 =	sshll.u32 s17, $0xE;
	s10 =	rddreg [dreg:$0x6];
	[sflag:s21] =	ssyncadd.s32 $0xFFFFDC00  }
0x26: {  	[hbm4b:s10+s2] =	stream.linear.scatter [tilespmem:s4], [sflag:$0x6], $0x2400, $0x38;
	[tilespmem:$0x12000] =	vst v63  }
0x27: {  	s8 =	sor.u32 $0x2000, s7;
	s1 =	sand.u32 $0x3800, s15;
	_ =	swait.ge [sflag:s19], $0x4000  }
0x28: {  	s1 =	sor.u32 s0, s1;
	s10 =	sand.u32 $0x3, s24;
	[sflag:s19] =	ssyncset.done $0x0  }
0x29: {  	s4 =	sor.u32 $0x1, s17;
	s15 =	sadd.s32 $0x5, s10;
	[sflag:s19] =	ssyncadd.s32 $0xFFFFC000  }
0x2a: {  	[tilespmem:s8], [sflag:s4] =	stream.indirect.gather [hbm4b:s3+s12], $0x80, s1, s12, $0xb8;
	[tilespmem:$0x12000] =	vst v63  }
0x2b: {  	s13 =	sor.u32 $0x1, s5;
	s16 =	sshll.u32 s5, $0xE;
	_ =	swait.ge [sflag:s15], $0x2400  }
0x2c: {  	s9 =	sshll.u32 s10, $0xE;
	s10 =	sadd.s32 $0x1, s10;
	[sflag:s15] =	ssyncset.done $0x0  }
0x2d: {  	s4 =	sor.u32 $0x2000, s9;
	s1 =	sor.u32 $0x400, s1;
	[sflag:s15] =	ssyncadd.s32 $0xFFFFDC00  }
0x2e: {  	[tilespmem:s4], [sflag:s10] =	stream.indirect.gather [hbm4b:s3+s14], $0x80, s1, s14, $0xb8;
	[tilespmem:$0x12000] =	vst v63  }
0x2f: {  	s6 =	sadd.s32 $0x6, s5;
	s7 =	sshll.u32 s13, $0xE;
	_ =	swait.ge [sflag:s13], $0x4000  }
0x30: {  	s17 =	sadd.s32 $0xFFFFF800, s18;
	s19 =	sor.u32 $0x5, s5;
	[sflag:s13] =	ssyncset.done $0x0  }
0x31: {  	s8 =	sadd.s32 $0x2, s5;
	s1 =	sor.u32 $0x2000, s16;
	[sflag:s13] =	ssyncadd.s32 $0xFFFFC000  }
0x32: {  	[hbm4b:s17+s2] =	stream.linear.scatter [tilespmem:s1], [sflag:s19], $0x4000, $0x38;
	[tilespmem:$0x12000] =	vst v63  }
0x33: {  	s7 =	sor.u32 $0x2000, s7;
	s0 =	simm.s32 $0x4;
	_ =	swait.ge [sflag:s8], $0x2400  }
0x34: {  	s15 =	simm.s32 $0x300;
	s4 =	simm.s32 $0x9;
	[sflag:s8] =	ssyncset.done $0x0  }
0x35: {  	s10 =	smov.u32 s18;
	s1 =	simm.s32 $0x180;
	[sflag:s8] =	ssyncadd.s32 $0xFFFFDC00  }
.LBB2_2:
0x36: {  	[hbm4b:s10+s2] =	stream.linear.scatter [tilespmem:s7], [sflag:s6], $0x2400, $0x38;
	[tilespmem:$0x12000] =	vst v63  }
0x37: {  	s6 =	smov.u32 s4;
	s10 =	smov.u32 s30  }
0x38: {  	s5 =	sadd.s32 $0x2, s4;
	s7 =	sand.u32 $0x2, s0;
	s0 =	sadd.s32 $0xFFFFFFFD, s6  }
0x39: {  	p0 =	sne.s32 s4, $0x3F;
	s4 =	sxor.u32 $0x2, s7;
	s8 =	sshll.u32 s7, $0xE  }
0x3a: {  	s9 =	sor.u32 $0x5, s4;
	s13 =	sshll.u32 s4, $0xE;
	s4 =	sor.u32 $0x1, s4  }
0x3b: {  	s16 =	sand.u32 $0x3, s31;
	s31 =	sand.u32 $0x380, s1;
	_ =	swait.ge [sflag:s9], $0x4000  }
0x3c: {  	s17 =	sand.u32 $0x3800, s15;
	s19 =	sadd.s32 $0x5, s16;
	[sflag:s9] =	ssyncset.done $0x0  }
0x3d: {  	[sflag:s9] =	ssyncadd.s32 $0xFFFFC000;
	s9 =	sor.u32 $0x2000, s13;
	s13 =	sor.u32 s31, s17  }
0x3e: {  	[tilespmem:s9], [sflag:s4] =	stream.indirect.gather [hbm4b:s3+s12], $0x80, s13, s12, $0xb8;
	[tilespmem:$0x12000] =	vst v63  }
0x3f: {  	s31 =	smov.u32 s6;
	s4 =	sshll.u32 s16, $0xE;
	_ =	swait.ge [sflag:s19], $0x2400  }
0x40: {  	s6 =	sadd.s32 $0x1, s16;
	s4 =	sor.u32 $0x2000, s4;
	[sflag:s19] =	ssyncset.done $0x0  }
0x41: {  	s9 =	sor.u32 $0x1, s7;
	s13 =	sor.u32 $0x400, s13;
	[sflag:s19] =	ssyncadd.s32 $0xFFFFDC00  }
0x42: {  	[tilespmem:s4], [sflag:s6] =	stream.indirect.gather [hbm4b:s3+s14], $0x80, s13, s14, $0xb8;
	[tilespmem:$0x12000] =	vst v63  }
0x43: {  	s4 =	sadd.s32 $0xFFFFF800, s30;
	s13 =	sshll.u32 s9, $0xE;
	_ =	swait.ge [sflag:s9], $0x4000  }
0x44: {  	s16 =	sadd.s32 $0x2, s7;
	s6 =	sor.u32 $0x5, s7;
	[sflag:s9] =	ssyncset.done $0x0  }
.Ltmp0:
0x45: {  	s8 =	sor.u32 $0x2000, s8;
	[sflag:s9] =	ssyncadd.s32 $0xFFFFC000;
	(pc) =	sbr.rel @p0 .LBB2_2-.Ltmp0, $4  }
0x46: {  	[hbm4b:s4+s2] =	stream.linear.scatter [tilespmem:s8], [sflag:s6], $0x4000, $0x38;
	[tilespmem:$0x12000] =	vst v63  }
0x47: {  	s1 =	sadd.s32 $0x80, s1;
	s15 =	sadd.s32 $0x100, s15;
	_ =	swait.ge [sflag:s16], $0x2400  }
0x48: {  	s30 =	sadd.s32 $0xC80, s30;
	s6 =	sadd.s32 $0x6, s7;
	[sflag:s16] =	ssyncset.done $0x0  }
0x49: {  	s7 =	sor.u32 $0x2000, s13;
	s4 =	smov.u32 s5;
	[sflag:s16] =	ssyncadd.s32 $0xFFFFDC00  }
0x4a: {  	[hbm4b:s10+s2] =	stream.linear.scatter [tilespmem:s7], [sflag:s6], $0x2400, $0x38;
	[tilespmem:$0x12000] =	vst v63  }
0x4b: {  	s0 =	sand.u32 $0x2, s0  }
0x4c: {  	s4 =	sxor.u32 $0x2, s0  }
0x4d: {  	s19 =	sand.u32 $0x3, s31;
	s1 =	sand.u32 $0x380, s1;
	s5 =	sor.u32 $0x5, s4  }
0x4e: {  	s8 =	sand.u32 $0x3800, s15;
	s9 =	sadd.s32 $0x5, s19;
	_ =	swait.ge [sflag:s5], $0x4000  }
0x4f: {  	s1 =	sor.u32 s1, s8;
	s17 =	sshll.u32 s4, $0xE;
	[sflag:s5] =	ssyncset.done $0x0  }
0x50: {  	s4 =	sor.u32 $0x1, s4;
	s31 =	sor.u32 $0x2000, s17;
	[sflag:s5] =	ssyncadd.s32 $0xFFFFC000  }
0x51: {  	[tilespmem:s31], [sflag:s4] =	stream.indirect.gather [hbm4b:s3+s12], $0x80, s1, s12, $0xb8;
	[tilespmem:$0x12000] =	vst v63  }
0x52: {  	s6 =	sshll.u32 s19, $0xE;
	_ =	swait.ge [sflag:s9], $0x2400  }
0x53: {  	s7 =	sadd.s32 $0x1, s19;
	s8 =	sor.u32 $0x1, s0;
	[sflag:s9] =	ssyncset.done $0x0  }
0x54: {  	s4 =	sor.u32 $0x2000, s6;
	s1 =	sor.u32 $0x400, s1;
	[sflag:s9] =	ssyncadd.s32 $0xFFFFDC00  }
0x55: {  	[tilespmem:s4], [sflag:s7] =	stream.indirect.gather [hbm4b:s3+s14], $0x80, s1, s14, $0xb8;
	[tilespmem:$0x12000] =	vst v63  }
0x56: {  	s13 =	sadd.s32 $0xFFFFF800, s30;
	_ =	swait.ge [sflag:s8], $0x4000  }
0x57: {  	s10 =	sshll.u32 s0, $0xE;
	s15 =	sor.u32 $0x5, s0;
	[sflag:s8] =	ssyncset.done $0x0  }
0x58: {  	s16 =	sadd.s32 $0x2, s0;
	s1 =	sor.u32 $0x2000, s10;
	[sflag:s8] =	ssyncadd.s32 $0xFFFFC000  }
0x59: {  	[hbm4b:s13+s2] =	stream.linear.scatter [tilespmem:s1], [sflag:s15], $0x4000, $0x38;
	[tilespmem:$0x12000] =	vst v63  }
0x5a: {  	_ =	swait.ge [sflag:s16], $0x2400  }
0x5b: {  	s17 =	sshll.u32 s8, $0xE;
	[sflag:s16] =	ssyncset.done $0x0  }
0x5c: {  	s0 =	sadd.s32 $0x6, s0;
	s1 =	sor.u32 $0x2000, s17;
	[sflag:s16] =	ssyncadd.s32 $0xFFFFDC00  }
0x5d: {  	[hbm4b:s30+s2] =	stream.linear.scatter [tilespmem:s1], [sflag:s0], $0x2400, $0x38;
	[tilespmem:$0x12000] =	vst v63  }
0x5e: {  	_ =	swait.ge [sflag:s22], $0x4000  }
0x5f: {  	[sflag:s22] =	ssyncset.done $0x0  }
0x60: {  	s5 =	simm.s32 $0xA000;
	s19 =	rddreg [dreg:$0x7];
	[sflag:s22] =	ssyncadd.s32 $0xFFFFC000  }
0x61: {  	[hbm4b:s19+s2] =	stream.linear.scatter [tilespmem:s5], [sflag:$0x7], $0x4000, $0x38;
	[tilespmem:$0x12000] =	vst v63  }
0x62: {  	_ =	swait.ge [sflag:s23], $0x2400  }
0x63: {  	[sflag:s23] =	ssyncset.done $0x0  }
0x64: {  	s6 =	simm.s32 $0xE000;
	s30 =	rddreg [dreg:$0x8];
	[sflag:s23] =	ssyncadd.s32 $0xFFFFDC00  }
0x65: {  	[hbm4b:s30+s2] =	stream.linear.scatter [tilespmem:s6], [sflag:$0x8], $0x2400, $0x38;
	[tilespmem:$0x12000] =	vst v63  }
0x66: {  	_ =	swait.ge [sflag:s24], $0x4000  }
0x67: {  	[sflag:s24] =	ssyncset.done $0x0  }
0x68: {  	[sflag:s24] =	ssyncadd.s32 $0xFFFFC000  }
0x69: {  	_ =	swait.ge [sflag:s25], $0x4000  }
0x6a: {  	[sflag:s25] =	ssyncset.done $0x0  }
0x6b: {  	[sflag:s25] =	ssyncadd.s32 $0xFFFFC000  }
0x6c: {  	_ =	swait.ge [sflag:s26], $0x2400  }
0x6d: {  	[sflag:s26] =	ssyncset.done $0x0  }
0x6e: {  	[sflag:s26] =	ssyncadd.s32 $0xFFFFDC00  }
0x6f: {  	_ =	swait.ge [sflag:s28], $0x2400  }
0x70: {  	s29 =	sadd.s32 $0x1, s29;
	s31 =	rddreg [dreg:$0x4]  }
0x71: {  	p0 =	sne.s32 s29, s31  }
.Ltmp1:
0x72: {  	_ = 	snop;
	(pc) =	sbr.rel @p0 .LBB2_1-.Ltmp1, $3  }
0x73: {  	_ =	sdelay $0x1  }
0x74: {  	[sflag:s28] =	ssyncset.done $0x0  }
0x75: {  	[sflag:s28] =	ssyncadd.s32 $0xFFFFDC00  }
0x76: {  	_ =	sfence.sel $0x180000  }
0x77: {  	[bflag:$0x0] =	sbarrier.arrive $0xFFFF  }
0x78: {  	_ =	strace $0x9000004A  }
0x79: {  	s0 =	stileid.u32;
	[bflag:$0x2] =	sbarrier.arrive $0xFFFF  }
0x7a: {  	p0 =	sne.s32 s0, $0x0;
	s0 =	rddreg [dreg:$0x2]  }
0x7b: {  	s0 =	sadd.s32 @!p0 $0x100000, s0  }
0x7c: {  	[sflag:s0] =	ssyncadd.tile.s32 @!p0 $0x1;
	_ =	shalt  }
.Lfunc_end2:
_tile_overlayer_lowered:
.L_overlay_start_2:
0x7d: {  	(tag) =	ssettag $0x2  }
0x7e: {  	s0 =	rddreg [dreg:$0x0];
	s2 =	stileid.u32  }
0x7f: {  	s1 =	rddreg [dreg:$0x1];
	p0 =	sne.s32 s2, $0x0  }
0x80: {  	s3 =	rddreg [dreg:$0x2];
	[bflag:$0x3] =	sbarrier.arrive $0xFFFF;
	s2 =	simm.s32 @!p0 $0x1C09  }
0x81: {  	[timem:s3], [sflag:s2] =	dma.local @!p0 [hbm:s0], s1  }
0x82: {  	s0 =	simm.s32 @!p0 $0x9  }
0x83: {  	_ =	swait.ge @!p0 [sflag:s0], s1  }
0x84: {  	s1 =	ssub.s32 @!p0 $0x0, s1;
	[sflag:s0] =	ssyncset.done @!p0 $0x0  }
0x85: {  	[sflag:s0] =	ssyncadd.s32 @!p0 s1  }
0x86: {  	[bflag:$0x3] =	sbarrier.arrive $0xFFFF  }
0x87: {  	_ =	shalt  }

// kernel: kernel.8.cloned.1.call-start
scs
__scs_entry_jumppad:
0x0: {  	(pc) =	sbr.rel $0x88, $3  }
0x1: {  	(tag) =	ssettag $0x0;
	lr =	simm.s32 $0x1  }
0x2: {  	[smem:$0x3F9D] =	sst lr;
	_ =	strace $0xD0000000  }
0x3: {  	_ = 	snop  }
0x4: {  	_ = 	snop  }
0x5: {  	_ = 	snop  }
0x6: {  	_ = 	snop  }
0x7: {  	_ = 	snop  }
__scs_overlays_trampoline_lowered:
0x8: {  	[smem:$0x3FAC] =	sst s0  }
0x9: {  	[smem:$0x3FAD] =	sst s1  }
0xa: {  	[smem:$0x3FAE] =	sst s2  }
0xb: {  	[smem:$0x3FAF] =	sst s3  }
0xc: {  	[smem:$0x3FB0] =	sst s4  }
0xd: {  	[smem:$0x3FB1] =	sst s5  }
0xe: {  	[smem:$0x3FB2] =	sst s6  }
0xf: {  	[smem:$0x3FB3] =	sst s7  }
0x10: {  	[smem:$0x3FB4] =	sst s8  }
0x11: {  	[smem:$0x3FB5] =	sst s9;
	s0 =	simm.s32 @!p0 $0x0  }
0x12: {  	s1 =	sld [smem:$0x3F9B];
	s0 =	simm.s32 @p0 $0x1  }
0x13: {  	[smem:$0x3FB6] =	sst s0;
	s0 =	simm.s32 @!p1 $0x0  }
0x14: {  	s2 =	sld [smem:$0x3F9A];
	s0 =	simm.s32 @p1 $0x1  }
0x15: {  	[smem:$0x3FB7] =	sst s0;
	s0 =	simm.s32 @!p2 $0x0  }
0x16: {  	s3 =	sld [smem:$0x3FDB];
	s0 =	simm.s32 @p2 $0x1  }
0x17: {  	s4 =	simm.s32 $0x1BF5;
	[smem:$0x3FB9] =	sst s0  }
0x18: {  	s0 =	sld [smem:$0x3F9C];
	_ =	swait.ge [sflag:s4], $0x0  }
0x19: {  	s7 =	sld [smem:$0x3F9D]  }
0x1a: {  	s8 =	sadd.s32 $0xFFFFE003, lr  }
0x1b: {  	s9 =	sadd.s32 $0xFFFFFEF7, lr;
	s5 =	simm.s32 $0xFFFFFFFF;
	p2 =	slt.u32 s8, $0xFFFFF086  }
0x1c: {  	p1 =	slt.u32 s9, $0xF7A;
	s5 =	simm.s32 @!p2 $0x0  }
0x1d: {  	s5 =	simm.s32 @p1 $0x1;
	p0 =	seq.s32 s7, s2  }
0x1e: {  	s7 =	smul.u32 @!p0 $0xF7A, s2;
	p2 =	seq.s32 @!p0 s5, $0x0  }
0x1f: {  	s9 =	smul.u32 $0xF7A, s1;
	s8 =	simm.s32 @!p0 $0x1BF5;
	p2 =	por !p2, p0  }
0x20: {  	[sflag:s8] =	ssyncset.s32 @!p0 $0xFFFFF086;
	s6 =	sadd.s32 @!p0 s3, s7;
	s7 =	simm.s32 @!p0 $0x108  }
0x21: {  	s3 =	sadd.s32 s3, s9;
	s6 =	sadd.s32 @!p0 $0x88, s6;
	s7 =	simm.s32 @p2 $0x1082  }
0x22: {  	[simem:s7], [sflag:s8] =	dma.local @!p0 [hbm:s6], $0xF7A  }
0x23: {  	s9 =	sor.u32 $0xD0000000, s2;
	s6 =	simm.s32 $0x108;
	_ =	swait.ge @!p0 [sflag:s8], $0x0  }
0x24: {  	s3 =	sadd.s32 $0x88, s3;
	s6 =	simm.s32 @!p1 $0x1082;
	[sflag:s4] =	ssyncset.s32 $0xFFFFF086  }
0x25: {  	[simem:s6], [sflag:s4] =	dma.local [hbm:s3], $0xF7A  }
0x26: {  	[smem:$0x3F9D] =	sst s1;
	(tag) =	ssettag s2;
	_ =	strace s9  }
0x27: {  	s1 =	sld [smem:$0x3FAD]  }
0x28: {  	s2 =	sld [smem:$0x3FAE]  }
0x29: {  	s4 =	sld [smem:$0x3FB0]  }
0x2a: {  	p0 =	seq.s32 s5, $0x0;
	s5 =	sld [smem:$0x3FB1]  }
0x2b: {  	s6 =	sld [smem:$0x3FB2]  }
0x2c: {  	s7 =	sld [smem:$0x3FB3]  }
0x2d: {  	s3 =	simm.s32 $0x108;
	s8 =	sld [smem:$0x3FB4]  }
0x2e: {  	s3 =	simm.s32 @!p0 $0x1082;
	s9 =	sld [smem:$0x3FB5]  }
0x2f: {  	lr =	sadd.s32 s0, s3;
	s0 =	sld [smem:$0x3FAC]  }
0x30: {  	s3 =	sld [smem:$0x3FAF]  }
0x31: {  	[smem:$0x3FB8] =	sst s10  }
0x32: {  	s10 =	sld [smem:$0x3FB6];
	_ =	sdelay $0x3  }
0x33: {  	p0 =	seq.s32 s10, $0x1;
	s10 =	sld [smem:$0x3FB8];
	_ =	sdelay $0x3  }
0x34: {  	[smem:$0x3FB8] =	sst s10  }
0x35: {  	s10 =	sld [smem:$0x3FB7];
	_ =	sdelay $0x3  }
0x36: {  	p1 =	seq.s32 s10, $0x1;
	s10 =	sld [smem:$0x3FB8];
	_ =	sdelay $0x3  }
0x37: {  	[smem:$0x3FB8] =	sst s10  }
0x38: {  	s10 =	sld [smem:$0x3FB9]  }
0x39: {  	_ = 	snop;
	(pc) =	sbr.ind lr, $3  }
0x3a: {  	_ = 	snop  }
0x3b: {  	_ = 	snop  }
0x3c: {  	p2 =	seq.s32 s10, $0x1;
	s10 =	sld [smem:$0x3FB8]  }
0x3d: {  	_ =	shalt  }
0x3e: {  	_ =	shalt  }
0x3f: {  	_ =	shalt  }
0x40: {  	_ =	shalt  }
0x41: {  	_ =	shalt  }
0x42: {  	_ =	shalt  }
0x43: {  	_ =	shalt  }
0x44: {  	_ =	shalt  }
0x45: {  	_ =	shalt  }
0x46: {  	_ =	shalt  }
0x47: {  	_ =	shalt  }
0x48: {  	_ =	shalt  }
0x49: {  	_ =	shalt  }
0x4a: {  	_ =	shalt  }
0x4b: {  	_ =	shalt  }
0x4c: {  	_ =	shalt  }
0x4d: {  	_ =	shalt  }
0x4e: {  	_ =	shalt  }
0x4f: {  	_ =	shalt  }
0x50: {  	_ =	shalt  }
0x51: {  	_ =	shalt  }
0x52: {  	_ =	shalt  }
0x53: {  	_ =	shalt  }
0x54: {  	_ =	shalt  }
0x55: {  	_ =	shalt  }
0x56: {  	_ =	shalt  }
0x57: {  	_ =	shalt  }
0x58: {  	_ =	shalt  }
0x59: {  	_ =	shalt  }
0x5a: {  	_ =	shalt  }
0x5b: {  	_ =	shalt  }
0x5c: {  	_ =	shalt  }
0x5d: {  	_ =	shalt  }
0x5e: {  	_ =	shalt  }
0x5f: {  	_ =	shalt  }
0x60: {  	_ =	shalt  }
0x61: {  	_ =	shalt  }
0x62: {  	_ =	shalt  }
0x63: {  	_ =	shalt  }
0x64: {  	_ =	shalt  }
0x65: {  	_ =	shalt  }
0x66: {  	_ =	shalt  }
0x67: {  	_ =	shalt  }
0x68: {  	_ =	shalt  }
0x69: {  	_ =	shalt  }
0x6a: {  	_ =	shalt  }
0x6b: {  	_ =	shalt  }
0x6c: {  	_ =	shalt  }
0x6d: {  	_ =	shalt  }
0x6e: {  	_ =	shalt  }
0x6f: {  	_ =	shalt  }
0x70: {  	_ =	shalt  }
0x71: {  	_ =	shalt  }
0x72: {  	_ =	shalt  }
0x73: {  	_ =	shalt  }
0x74: {  	_ =	shalt  }
0x75: {  	_ =	shalt  }
0x76: {  	_ =	shalt  }
0x77: {  	_ =	shalt  }
0x78: {  	_ =	shalt  }
0x79: {  	_ =	shalt  }
0x7a: {  	_ =	shalt  }
0x7b: {  	_ =	shalt  }
0x7c: {  	_ =	shalt  }
0x7d: {  	_ =	shalt  }
0x7e: {  	_ =	shalt  }
0x7f: {  	_ =	shalt  }
0x80: {  	_ =	shalt  }
0x81: {  	_ =	shalt  }
0x82: {  	_ =	shalt  }
0x83: {  	_ =	shalt  }
0x84: {  	_ =	shalt  }
0x85: {  	_ =	shalt  }
0x86: {  	_ =	shalt  }
0x87: {  	_ =	shalt  }
.Lfunc_end0:
.L_simem_size_0:
called_computation.1_lowered:
.L_overlay_start_0:
0x88: {  	s2 =	sld [smem:$0x3FD9]  }
0x89: {  	s3 =	sld [smem:$0x3FFE];
	_ =	sdelay $0x1  }
0x8a: {  	s1 =	srdreg.scid  }
0x8b: {  	s0 =	sand.u32 $0x1, s1  }
0x8c: {  	s16 =	sshll.u32 s0, $0xA;
	s2 =	sadd.s32 s3, s2  }
0x8d: {  	s2 =	sadd.s32 s2, s16  }
0x8e: {  	[smem:$0x3FC4] =	sst s2  }
0x8f: {  	_ = 	snop  }
0x90: {  	(tm) =	ssettm $0x1  }
0x91: {  	s17 =	sld [smem:$0x3FFB];
	_ =	sdelay $0x3  }
0x92: {  	_ =	strace s17  }
0x93: {  	s2 =	sld [smem:$0x3FFC];
	_ =	sdelay $0x3  }
0x94: {  	_ =	strace s2  }
0x95: {  	s2 =	sld [smem:$0x3FFD];
	_ =	sdelay $0x3  }
0x96: {  	_ =	strace s2  }
0x97: {  	_ =	strace $0x8FFFFFFF  }
0x98: {  	s18 =	sld [smem:$0x3FDB];
	_ =	sdelay $0x1  }
0x99: {  	s19 =	simm.s32 $_scs_section_size  }
0x9a: {  	s4 =	simm.s32 $_size__tile_overlayer_lowered;
	s5 =	simm.s32 $_tile_overlayer_lowered  }
0x9b: {  	s22 =	simm.s32 $0x1BFF;
	s21 =	sshll.u32 s5, $0x1;
	s2 =	sadd.s32 s19, s18  }
0x9c: {  	s6 =	simm.s32 $0x0;
	s20 =	sshll.u32 s4, $0x1;
	s4 =	sadd.s32 s21, s2  }
0x9d: {  	[timem:s6], [sflag:s22] =	dma.local [hbm:s4], s20  }
0x9e: {  	_ =	swait.ge [sflag:s22], s20  }
0x9f: {  	s3 =	ssub.s32 $0x0, s20;
	[sflag:s22] =	ssyncset.done $0x0  }
0xa0: {  	[sflag:s22] =	ssyncadd.s32 s3;
	_ =	sdelay $0x1  }
0xa1: {  	s23 =	simm.s32 $0x1B8B  }
0xa2: {  	_ =	swait.ge [sflag:s23], $0x1  }
0xa3: {  	[sflag:s23] =	ssyncset.done $0x0  }
0xa4: {  	s25 =	simm.s32 $0x1B8E;
	s24 =	sld [smem:$0x3FFE];
	[sflag:s23] =	ssyncadd.s32 $0xFFFFFFFF  }
0xa5: {  	s26 =	simm.s32 $execute0_lowered;
	[smem:$0x3FD2] =	sst s25  }
0xa6: {  	s4 =	sshll.u32 s26, $0x1;
	_ =	strace $0x80000046;
	[dreg:$0x1] =	wrdreg $0xFFFFFFFF  }
0xa7: {  	s28 =	simm.s32 $_size_execute0_lowered;
	s2 =	sadd.s32 s2, s4;
	[dreg:$0x0] =	wrdreg $0x0  }
0xa8: {  	s4 =	sshll.u32 s28, $0x1;
	[dreg:$0x2] =	wrdreg s2  }
0xa9: {  	[dreg:$0x3] =	wrdreg s4  }
0xaa: {  	[dreg:$0x4] =	wrdreg $0xC0  }
0xab: {  	_ =	task [dreg:s6], $0x5FFFF  }
0xac: {  	[dreg:$0x1] =	wrdreg $0xFFFFFFFF  }
0xad: {  	[dreg:$0x0] =	wrdreg $0x60  }
0xae: {  	[dreg:$0x2] =	wrdreg s24  }
0xaf: {  	[dreg:$0x3] =	wrdreg $0xA  }
0xb0: {  	_ =	task.clear_ibuf [dreg:s6], $0x4FFFF;
	_ =	strace $0x90000046  }
0xb1: {  	s29 =	simm.s32 $0xA;
	_ =	strace $0x80000048  }
0xb2: {  	_ =	swait.ge [sflag:s29], $0x1  }
0xb3: {  	[sflag:s29] =	ssyncadd.s32 $0xFFFFFFFF  }
0xb4: {  	_ =	strace $0x90000048  }
0xb5: {  	_ =	sfence  }
0xb6: {  	s30 =	sld [smem:$0x0];
	_ =	sdelay $0x2  }
0xb7: {  	s31 =	sshll.u32 s1, $0xD;
	s1 =	sshrl.u32 s1, $0x2  }
0xb8: {  	s3 =	sand.u32 $0x4000, s31;
	s1 =	sadd.s32 s1, s30  }
0xb9: {  	s0 =	sor.u32 s3, s0;
	s1 =	sshll.u32 s1, $0x11  }
0xba: {  	s0 =	sor.u32 s1, s0  }
0xbb: {  	s0 =	sadd.s32 $0x8F2B, s0  }
0xbc: {  	[sflag:s0] =	ssyncadd.remote.s32 $0x1  }
0xbd: {  	_ =	sfence.sel $0xFFFF  }
0xbe: {  	[dreg:$0x0] =	wrdreg $0xFFFFFFFF;
	(pc) =	sbr.abs _section_cstart, $3  }
0xbf: {  	[dreg:$0x1] =	wrdreg $0xFFFFFFFF  }
0xc0: {  	_ =	task.clear_ibuf [dreg:s6], $0x2FFFF;
	_ =	strace $0x9FFFFFFF  }
0xc1: {  	(tm) =	ssettm $0x7FFFFFFF  }
tec
execute0_lowered:
.L_overlay_start_1:
0x0: {  	(tag) =	ssettag $0x1  }
0x1: {  	s4 =	rddreg [dreg:$0x0]  }
0x2: {  	s0 =	rddreg [dreg:$0x1];
	s2 =	simm.s32 $0x0;
	s3 =	srdreg.scid  }
0x3: {  	s1 =	stileid.u32;
	s9 =	simm.s32 $0x1A800;
	s10 =	simm.s32 $0x0  }
0x4: {  	[smem:$0x7FF] =	sst s2;
	s3 =	sand.u32 $0x1, s3;
	s5 =	sshll.u32 s1, $0x1  }
0x5: {  	_ =	strace $0x80000047;
	s5 =	sor.u32 s3, s5;
	s7 =	ssub.s32 $0x2, s3  }
0x6: {  	s6 =	sshll.u32 s5, $0xA;
	s5 =	smul.u32 $0x320, s5;
	s8 =	sshrl.u32 s7, $0x1  }
0x7: {  	s3 =	sadd.s32 $0x18FA00, s4;
	s6 =	sadd.s32 s6, s4;
	s7 =	ssub.s32 s7, s8  }
0x8: {  	s8 =	simm.s32 $0x18800;
	s5 =	sadd.s32 s5, s4;
	s4 =	sadd.s32 $0x1000, s6  }
0x9: {  	v0 =	vimm.f32 $0.0e+00;
	s6 =	smax.u32 s7, $0x1;
	s7 =	simm.s32 $0x1;
	s5 =	sadd.s32 $0x192C00, s5  }
.LBB2_1:
0xa: {  	[tilespmem:s2], [sflag:$0x1] =	stream.linear.gather [hbm4b:s3+s2], $0x18800, $0x38;
	[tilespmem:$0x1C100] =	vst v63  }
0xb: {  	s11 =	smulhi.u32 $0x4EC4EC4F, s2  }
0xc: {  	_ =	swait.ge [sflag:s7], $0x18800  }
0xd: {  	[sflag:s7] =	ssyncset.done $0x0;
	s11 =	sshrl.u32 s11, $0x2  }
0xe: {  	[sflag:s7] =	ssyncadd.s32 $0xFFFE7800;
	s11 =	smul.u32 $0xD0, s11  }
0xf: {  	[tilespmem:s8], [sflag:$0x1] =	stream.linear.gather [hbm4b:s4+s2], $0x2000, $0x38;
	[tilespmem:$0x1C100] =	vst v63  }
0x10: {  	s11 =	ssub.s32 $0x0, s11  }
0x11: {  	s13 =	smul.u32 $0x4EC5, s2;
	p0 =	slt.s32 s11, $0xB8  }
0x12: {  	s11 =	simm.s32 @!p0 $0xB8  }
0x13: {  	s12 =	sshrl.u32 s13, $0xA;
	s14 =	sshll.u32 s11, $0x3  }
0x14: {  	s15 =	sshrl.u32 s13, $0xB;
	s12 =	sand.u32 $0x3800, s12;
	s14 =	sand.u32 $0xFFFFFC00, s14  }
0x15: {  	s15 =	sand.u32 $0x380, s15;
	_ =	swait.ge [sflag:s7], $0x2000;
	s12 =	sadd.s32 s14, s12  }
0x16: {  	[sflag:s7] =	ssyncset.done $0x0;
	s31 =	sand.u32 $0x78, s11;
	s15 =	sor.u32 s15, s12  }
0x17: {  	[sflag:s7] =	ssyncadd.s32 $0xFFFFE000;
	s14 =	sor.u32 s31, s15  }
0x18: {  	v1 =	vld [tilespmem:s14+$0x18800];
	_ =	sdelay $0x2  }
0x19: {  	s12 =	simm.s32 $0x1  }
0x1a: {  	s16 =	smulhi.u32 $0x4EC4EC4F, s12;
	s15 =	simm.s32 $0x2;
	s14 =	simm.s32 $0x0  }
.LBB2_2:
0x1b: {  	p0 =	sne.s32 s15, $0x19F  }
0x1c: {  	s16 =	sshrl.u32 s16, $0x2  }
0x1d: {  	s16 =	smul.u32 $0xD0, s16  }
0x1e: {  	s14 =	sadd.s32 $0x10, s14;
	v1 =	vld.idx.msk [tilespmem:v1+s2+$0x0], $0xffff  }
0x1f: {  	s16 =	ssub.s32 s14, s16  }
0x20: {  	s17 =	smul.u32 $0x4EC5, s12;
	s12 =	smov.u32 s15;
	p1 =	slt.s32 s16, $0xB8  }
0x21: {  	s13 =	sshrl.u32 s13, $0x12;
	s16 =	simm.s32 @!p1 $0xB8  }
0x22: {  	s13 =	smul.u32 $0x320, s13;
	s18 =	sshrl.u32 s17, $0xA;
	s19 =	sshll.u32 s16, $0x3  }
0x23: {  	s20 =	sshrl.u32 s17, $0xB;
	s18 =	sand.u32 $0x3800, s18;
	s19 =	sand.u32 $0xFFFFFC00, s19  }
0x24: {  	s20 =	sand.u32 $0x380, s20;
	s13 =	sshrl.u32 s13, $0x2;
	vm0 =	veq.f32 v1, $0.0e+00;
	s18 =	sadd.s32 s19, s18  }
0x25: {  	s11 =	sadd.s32 s11, s13;
	s19 =	sand.u32 $0x78, s16;
	v1 =	vsel vm0, $0x3F800000, v0;
	s18 =	sor.u32 s20, s18  }
0x26: {  	s13 =	smov.u32 s17;
	s18 =	sor.u32 s19, s18;
	[tilespmem:s11+$0x1A800] =	vst v1;
	s11 =	smov.u32 s16  }
.Ltmp0:
0x27: {  	v1 =	vld [tilespmem:s18+$0x18800];
	(pc) =	sbr.rel @p0 .LBB2_2-.Ltmp0, $2  }
0x28: {  	_ =	sdelay $0x2  }
0x29: {  	s15 =	sadd.s32 $0x1, s15;
	s16 =	smulhi.u32 $0x4EC4EC4F, s12  }
0x2a: {  	_ = 	snop  }
0x2b: {  	s15 =	sshrl.u32 s16, $0x2  }
0x2c: {  	s15 =	smul.u32 $0xD0, s15  }
0x2d: {  	s14 =	sadd.s32 $0x10, s14  }
0x2e: {  	v1 =	vld.idx.msk [tilespmem:v1+s2+$0x0], $0xffff;
	s14 =	ssub.s32 s14, s15  }
0x2f: {  	s12 =	smul.u32 $0x4EC5, s12;
	p0 =	slt.s32 s14, $0xB8  }
0x30: {  	s13 =	sshrl.u32 s13, $0x12;
	s14 =	simm.s32 @!p0 $0xB8  }
0x31: {  	s13 =	smul.u32 $0x320, s13;
	s26 =	sshrl.u32 s12, $0xA;
	s28 =	sshll.u32 s14, $0x3  }
0x32: {  	s17 =	sshrl.u32 s12, $0xB;
	s15 =	sand.u32 $0x3800, s26;
	s16 =	sand.u32 $0xFFFFFC00, s28  }
0x33: {  	s17 =	sand.u32 $0x380, s17;
	s13 =	sshrl.u32 s13, $0x2;
	vm0 =	veq.f32 v1, $0.0e+00;
	s15 =	sadd.s32 s16, s15  }
0x34: {  	s11 =	sadd.s32 s11, s13;
	v1 =	vsel vm0, $0x3F800000, v0;
	s29 =	sand.u32 $0x78, s14;
	s15 =	sor.u32 s17, s15  }
0x35: {  	[tilespmem:s11+$0x1A800] =	vst v1;
	s30 =	sor.u32 s29, s15  }
0x36: {  	v1 =	vld [tilespmem:s30+$0x18800];
	_ =	sdelay $0x7  }
0x37: {  	v1 =	vld.idx.msk [tilespmem:v1+s2+$0x0], $0xffff;
	_ =	sdelay $0x1  }
0x38: {  	s31 =	sshrl.u32 s12, $0x12  }
0x39: {  	s11 =	smul.u32 $0x320, s31;
	_ =	sdelay $0x1  }
0x3a: {  	s10 =	sadd.s32 $0x1, s10;
	s11 =	sshrl.u32 s11, $0x2;
	vm15 =	veq.f32 v1, $0.0e+00  }
0x3b: {  	p0 =	sne.s32 s10, s6;
	s11 =	sadd.s32 s14, s11;
	v1 =	vsel vm15, $0x3F800000, v0  }
.Ltmp1:
0x3c: {  	[tilespmem:s11+$0x1A800] =	vst v1;
	(pc) =	sbr.rel @p0 .LBB2_1-.Ltmp1, $4  }
0x3d: {  	[hbm4b:s5+s2] =	stream.linear.scatter [tilespmem:s9], [sflag:$0x1], $0x1900, $0x38;
	[tilespmem:$0x1C100] =	vst v63  }
0x3e: {  	_ =	swait.ge [sflag:s7], $0x1900  }
0x3f: {  	[sflag:s7] =	ssyncset.done $0x0  }
0x40: {  	[sflag:s7] =	ssyncadd.s32 $0xFFFFE700  }
0x41: {  	_ =	sfence.sel $0x180000  }
0x42: {  	[bflag:$0x0] =	sbarrier.arrive $0xFFFF  }
0x43: {  	p0 =	sne.s32 s1, $0x0;
	_ =	strace $0x90000047  }
0x44: {  	s0 =	sadd.s32 @!p0 $0x100000, s0;
	[bflag:$0x2] =	sbarrier.arrive $0xFFFF  }
0x45: {  	[sflag:s0] =	ssyncadd.tile.s32 @!p0 $0x1;
	_ =	shalt  }
.Lfunc_end2:
_tile_overlayer_lowered:
.L_overlay_start_2:
0x46: {  	(tag) =	ssettag $0x2  }
0x47: {  	s0 =	rddreg [dreg:$0x0];
	s2 =	stileid.u32  }
0x48: {  	s1 =	rddreg [dreg:$0x1];
	p0 =	sne.s32 s2, $0x0  }
0x49: {  	s3 =	rddreg [dreg:$0x2];
	[bflag:$0x3] =	sbarrier.arrive $0xFFFF;
	s2 =	simm.s32 @!p0 $0x1C01  }
0x4a: {  	[timem:s3], [sflag:s2] =	dma.local @!p0 [hbm:s0], s1  }
0x4b: {  	s0 =	simm.s32 @!p0 $0x1  }
0x4c: {  	_ =	swait.ge @!p0 [sflag:s0], s1  }
0x4d: {  	s1 =	ssub.s32 @!p0 $0x0, s1;
	[sflag:s0] =	ssyncset.done @!p0 $0x0  }
0x4e: {  	[sflag:s0] =	ssyncadd.s32 @!p0 s1  }
0x4f: {  	[bflag:$0x3] =	sbarrier.arrive $0xFFFF  }
0x50: {  	_ =	shalt  }

</sc_bundles>
